<compile_context>
chip_gen: v7x
topology: tpu7x:2x2x1
jax: 0.10.2.dev20260603
libtpu: 0.0.44.dev20260713+nightly
codegen_flags: <defaults>
</compile_context>

<pallas_src>
import functools

import jax
import jax.numpy as jnp
from jax import lax
from jax.experimental import pallas as pl
from jax.experimental.pallas import tpu as pltpu
from jax.experimental.pallas import tpu_sc as plsc

N = 10000
H = 128
NPAD = 10240
NC, NS = 2, 16
NW = NC * NS
EBLK = 128
RPT = NPAD // NS
MBLK = 1024
G = NPAD // MBLK

def _mesh():
    return plsc.VectorSubcoreMesh(core_axis_name="c", subcore_axis_name="s",
                                  num_cores=NC, num_subcores=NS)


def _worker(cid, sid):
    return sid * NC + cid


DROWS = NPAD // H
DCH = 8


def _make_deg(e_pad):
    ept = e_pad // NW

    @functools.partial(
        pl.kernel,
        out_type=jax.ShapeDtypeStruct((NC * DROWS, H), jnp.float32),
        mesh=_mesh(),
        scratch_types=[
            pltpu.VMEM_SHARED((DROWS, H), jnp.float32),
            pltpu.VMEM((ept,), jnp.int32),
            pltpu.VMEM((DROWS, H), jnp.float32),
            pltpu.VMEM((DCH, H), jnp.float32),
            pltpu.VMEM((DROWS,), jnp.int32),
        ],
        compiler_params=pltpu.CompilerParams(needs_layout_passes=False),
    )
    def deg_kernel(dst_hbm, deg_hbm, acc_sh, dstv, loc, zbuf, iota_v):
        cid = lax.axis_index("c")
        sid = lax.axis_index("s")
        wid = _worker(cid, sid)

        def initz(i, _):
            loc[i // 8, pl.ds((i % 8) * 16, 16)] = jnp.zeros((16,), jnp.float32)
            return 0
        lax.fori_loop(0, DROWS * 8, initz, 0)

        def initz2(i, _):
            zbuf[i // 8, pl.ds((i % 8) * 16, 16)] = jnp.zeros((16,), jnp.float32)
            return 0
        lax.fori_loop(0, DCH * 8, initz2, 0)

        def initio(i, _):
            iota_v[pl.ds(i * 16, 16)] = lax.iota(jnp.int32, 16) + i * 16
            return 0
        lax.fori_loop(0, DROWS // 16, initio, 0)

        @pl.when(sid < DROWS // DCH)
        def _():
            pltpu.sync_copy(zbuf, acc_sh.at[pl.ds(sid * DCH, DCH)])
        pltpu.sync_copy(dst_hbm.at[pl.ds(wid * ept, ept)], dstv)
        plsc.subcore_barrier()

        ones16 = jnp.ones((16,), jnp.float32)

        def grp(g, _):
            dd = dstv[pl.ds(g * 16, 16)]
            row = lax.shift_right_logical(dd, 7)
            col = lax.bitwise_and(dd, 127)
            plsc.addupdate_scatter(loc, [row, col], ones16)
            return 0
        lax.fori_loop(0, ept // 16, grp, 0)

        pltpu.sync_copy(loc, acc_sh.at[iota_v], add=True)
        plsc.subcore_barrier()

        @pl.when(sid < DROWS // DCH)
        def _():
            pltpu.sync_copy(acc_sh.at[pl.ds(sid * DCH, DCH)], zbuf)
            pltpu.sync_copy(
                zbuf, deg_hbm.at[pl.ds(cid * DROWS + sid * DCH, DCH)])

    return deg_kernel


def _make_msg(e_pad):
    ept = e_pad // NW
    blks = ept // EBLK

    @functools.partial(
        pl.kernel,
        out_type=jax.ShapeDtypeStruct((NC * NPAD, H), jnp.float32),
        mesh=_mesh(),
        scratch_types=[
            pltpu.VMEM_SHARED((NPAD, H), jnp.float32),
            pltpu.VMEM((EBLK,), jnp.int32),
            pltpu.VMEM((EBLK,), jnp.int32),
            pltpu.VMEM((EBLK, H), jnp.float32),
            pltpu.SemaphoreType.DMA,
        ],
    )
    def msg_kernel(hw_hbm, src_hbm, dst_hbm, out_hbm, acc_sh, srcv, dstv,
                   rows, sem):
        cid = lax.axis_index("c")
        sid = lax.axis_index("s")
        wid = _worker(cid, sid)

        def initz(i, _):
            rows[i // 8, pl.ds((i % 8) * 16, 16)] = jnp.zeros((16,),
                                                              jnp.float32)
            return 0
        lax.fori_loop(0, EBLK * 8, initz, 0)

        for k in range(RPT // EBLK):
            pltpu.sync_copy(rows, acc_sh.at[pl.ds(sid * RPT + k * EBLK, EBLK)])
        plsc.subcore_barrier()

        base = wid * ept

        def blk(i, _):
            off = base + i * EBLK
            pltpu.sync_copy(src_hbm.at[pl.ds(off, EBLK)], srcv)
            pltpu.sync_copy(dst_hbm.at[pl.ds(off, EBLK)], dstv)
            pltpu.async_copy(hw_hbm.at[srcv], rows, sem).wait()
            pltpu.sync_copy(rows, acc_sh.at[dstv], add=True)
            return 0
        lax.fori_loop(0, blks, blk, 0)

        plsc.subcore_barrier()
        for k in range(RPT // EBLK):
            r0 = sid * RPT + k * EBLK
            pltpu.sync_copy(acc_sh.at[pl.ds(r0, EBLK)], rows)
            pltpu.sync_copy(rows, out_hbm.at[pl.ds(cid * NPAD + r0, EBLK)])

    return msg_kernel


def _dis_block(deg_blk):
    d8 = deg_blk[0] + deg_blk[1]
    r = lax.broadcasted_iota(jnp.int32, (MBLK, MBLK // H), 0)
    g = lax.broadcasted_iota(jnp.int32, (MBLK, MBLK // H), 1)
    m1 = jnp.where(r // H == g, 1.0, 0.0)
    t = jnp.dot(m1, d8, preferred_element_type=jnp.float32)
    rr = lax.broadcasted_iota(jnp.int32, (MBLK, H), 0)
    ll = lax.broadcasted_iota(jnp.int32, (MBLK, H), 1)
    col = jnp.sum(jnp.where(rr % H == ll, t, 0.0), axis=1, keepdims=True)
    return lax.rsqrt(jnp.maximum(col, 1e-12))


def _rowmask(i, val):
    row = i * MBLK + lax.broadcasted_iota(jnp.int32, (MBLK, H), 0)
    return jnp.where(row < N, val, 0.0)


def _tc1_body(x_ref, win_ref, bin_ref, wg_ref, deg_ref, h_ref, hw_ref):
    i = pl.program_id(0)
    h = jnp.maximum(
        jnp.dot(x_ref[...], win_ref[...], preferred_element_type=jnp.float32)
        + bin_ref[...], 0.0)
    h = _rowmask(i, h)
    h_ref[...] = h
    dis = _dis_block(deg_ref[...])
    hw_ref[...] = jnp.dot(h * dis, wg_ref[...],
                          preferred_element_type=jnp.float32)


def _tc2_body(acc_ref, h_ref, bg_ref, wg_ref, deg_ref, h1_ref, hw_ref):
    i = pl.program_id(0)
    dis = _dis_block(deg_ref[...])
    a = acc_ref[0] + acc_ref[1]
    h1 = jnp.maximum(dis * a + bg_ref[...], 0.0) + h_ref[...]
    h1 = _rowmask(i, h1)
    h1_ref[...] = h1
    hw_ref[...] = jnp.dot(h1 * dis, wg_ref[...],
                          preferred_element_type=jnp.float32)


def _tc3_body(acc_ref, h_ref, bg_ref, deg_ref, wout_ref, bout_ref, y_ref,
              acc_scr):
    i = pl.program_id(0)
    dis = _dis_block(deg_ref[...])
    a = acc_ref[0] + acc_ref[1]
    h2 = jnp.maximum(dis * a + bg_ref[...], 0.0) + h_ref[...]
    h2 = _rowmask(i, h2)
    part = jnp.sum(h2, axis=0, keepdims=True)

    @pl.when(i == 0)
    def _():
        acc_scr[...] = part

    @pl.when(i > 0)
    def _():
        acc_scr[...] += part

    @pl.when(i == G - 1)
    def _():
        y_ref[...] = jnp.dot(acc_scr[...] * (1.0 / N), wout_ref[...],
                             preferred_element_type=jnp.float32) + bout_ref[...]


_row_spec = pl.BlockSpec((MBLK, H), lambda i: (i, 0))
_w_spec = pl.BlockSpec((H, H), lambda i: (0, 0))
_b_spec = pl.BlockSpec((1, H), lambda i: (0, 0))
_deg_spec = pl.BlockSpec((2, MBLK // H, H), lambda i: (0, i, 0))
_acc_spec = pl.BlockSpec((2, MBLK, H), lambda i: (0, i, 0))

_tc1 = pl.pallas_call(
    _tc1_body,
    grid=(G,),
    in_specs=[_row_spec, _w_spec, _b_spec, _w_spec, _deg_spec],
    out_specs=[_row_spec, _row_spec],
    out_shape=[jax.ShapeDtypeStruct((NPAD, H), jnp.float32)] * 2,
)

_tc2 = pl.pallas_call(
    _tc2_body,
    grid=(G,),
    in_specs=[_acc_spec, _row_spec, _b_spec, _w_spec, _deg_spec],
    out_specs=[_row_spec, _row_spec],
    out_shape=[jax.ShapeDtypeStruct((NPAD, H), jnp.float32)] * 2,
)

_tc3 = pl.pallas_call(
    _tc3_body,
    grid=(G,),
    in_specs=[_acc_spec, _row_spec, _b_spec, _deg_spec, _w_spec, _b_spec],
    out_specs=pl.BlockSpec((1, H), lambda i: (0, 0)),
    out_shape=jax.ShapeDtypeStruct((1, H), jnp.float32),
    scratch_shapes=[pltpu.VMEM((1, H), jnp.float32)],
)


def kernel(x, edge_index, W_in, b_in, Wg0, bg0, Wg1, bg1, W_out, b_out):
    n, _ = x.shape
    e = edge_index.shape[1]
    e_tot = e + n
    epb = NW * EBLK
    e_pad = ((e_tot + epb - 1) // epb) * epb

    loop = jnp.arange(n, dtype=jnp.int32)
    pad = jnp.full((e_pad - e_tot,), n, dtype=jnp.int32)
    src = jnp.concatenate([edge_index[0], loop, pad])
    dst = jnp.concatenate([edge_index[1], loop, pad])

    x_pad = jnp.pad(x, ((0, NPAD - n), (0, 0)))
    b_in2 = b_in.reshape(1, H)
    bg0_2 = bg0.reshape(1, H)
    bg1_2 = bg1.reshape(1, H)
    b_out2 = b_out.reshape(1, H)

    deg_k = _make_deg(e_pad)
    msg_k = _make_msg(e_pad)

    degp = deg_k(dst).reshape(NC, DROWS, H)
    h, hw0 = _tc1(x_pad, W_in, b_in2, Wg0, degp)
    acc0 = msg_k(hw0, src, dst).reshape(NC, NPAD, H)
    h1, hw1 = _tc2(acc0, h, bg0_2, Wg1, degp)
    acc1 = msg_k(hw1, src, dst).reshape(NC, NPAD, H)
    return _tc3(acc1, h1, bg1_2, degp, W_out, b_out2)

# --- scband reference (transcript-rebuilt; emitter-appended) ---
"""Pipeline reference for scband-graph-neural-network-36189394436298 (READ-ONLY COPY).

The authoritative reference and input builder live on the scoring server;
editing this copy changes nothing except your own understanding.
"""

import jax, jax.numpy as jnp
import numpy as np

N = 10000
E = 320000
D = 128
H = 128


def setup_inputs(seed: int = 0) -> dict:
    key = jax.random.key(seed)
    ks = jax.random.split(key, 12)
    s_in = 1.0 / np.sqrt(D)
    s_h = 1.0 / np.sqrt(H)
    inp = {
        "x": jax.random.normal(ks[0], (N, D), dtype=jnp.float32),
        "edge_index": jax.random.randint(ks[1], (2, E), 0, N, dtype=jnp.int32),
        "W_in": jax.random.normal(ks[2], (D, H), dtype=jnp.float32) * s_in,
        "b_in": jnp.zeros((H,), dtype=jnp.float32),
        "Wg0": jax.random.normal(ks[3], (H, H), dtype=jnp.float32) * s_h,
        "bg0": jnp.zeros((H,), dtype=jnp.float32),
        "Wg1": jax.random.normal(ks[4], (H, H), dtype=jnp.float32) * s_h,
        "bg1": jnp.zeros((H,), dtype=jnp.float32),
        "W_out": jax.random.normal(ks[5], (H, H), dtype=jnp.float32) * s_h,
        "b_out": jnp.zeros((H,), dtype=jnp.float32),
    }
    return inp


def _gcn_conv(h, W, b, src, dst, n):
    # PyG GCNConv: out = D^{-1/2} (A + I) D^{-1/2} (h W) + b  (self-loops already in src/dst)
    hw = h @ W
    deg = jax.ops.segment_sum(jnp.ones_like(dst, dtype=hw.dtype), dst, num_segments=n)
    dis = jnp.where(deg > 0, jax.lax.rsqrt(jnp.maximum(deg, 1e-12)), 0.0)
    norm = dis[src] * dis[dst]
    msg = hw[src] * norm[:, None]
    out = jax.ops.segment_sum(msg, dst, num_segments=n)
    return out + b


def reference(x, edge_index, W_in, b_in, Wg0, bg0, Wg1, bg1, W_out, b_out):
    loop = jnp.arange(N, dtype=edge_index.dtype)
    src = jnp.concatenate([edge_index[0], loop])
    dst = jnp.concatenate([edge_index[1], loop])
    # input projection + activation
    h = jax.nn.relu(x @ W_in + b_in)
    # GCN layers with relu, dropout(p=0)=identity, residual
    for W, b in ((Wg0, bg0), (Wg1, bg1)):
        res = h
        h = _gcn_conv(h, W, b, src, dst, N)
        h = jax.nn.relu(h)
        h = h + res
    # mean pooling over nodes (batch=None)
    g = jnp.mean(h, axis=0, keepdims=True)
    # output projection
    return g @ W_out + b_out

if __name__ == "__main__":
    import jax
    _d = setup_inputs()
    print(jax.jit(kernel)(*tuple(_d.values())))

</pallas_src>

<mosaic_0001>
#map = affine_map<(d0, d1) -> (0)>
#map1 = affine_map<(d0, d1) -> (0, 0)>
module attributes {stable_mosaic.version = 14 : i64} {
  func.func @deg_kernel(%arg0: i32, %arg1: i32, %arg2: memref<331776xi32, #tpu.memory_space<hbm>>, %arg3: memref<160x128xf32, #tpu.memory_space<hbm>>, %arg4: memref<80x128xf32, #tpu.memory_space<vmem_shared>>, %arg5: memref<10368xi32, #tpu.memory_space<vmem>>, %arg6: memref<80x128xf32, #tpu.memory_space<vmem>>, %arg7: memref<8x128xf32, #tpu.memory_space<vmem>>, %arg8: memref<80xi32, #tpu.memory_space<vmem>>) attributes {dimension_semantics = [#tpu.dimension_semantics<core_parallel>, #tpu.dimension_semantics<subcore_parallel>], iteration_bounds = array<i64: 2, 16>, scalar_prefetch = 0 : i64, scratch_operands = 5 : i64, tpu.core_type = #tpu.core_type<sc_vector_subcore>, window_params = [{transform_indices = #map}, {transform_indices = #map1}]} {
    %mul3A = arith.constant 2 : i32
    %mul3A_0 = arith.muli %arg1, %mul3A : i32
    %add3A = arith.addi %mul3A_0, %arg0 : i32
    %scan3A = arith.constant 0 : i32
    %scan3A_1 = arith.constant 0 : i32
    %scan3A_2 = arith.constant 640 : i32
    %scan3A_3 = arith.addi %scan3A_1, %scan3A_2 : i32
    %scan3A_4 = arith.constant 1 : i32
    %scan3A_5 = scf.for %scan3A_39 = %scan3A_1 to %scan3A_3 step %scan3A_4 iter_args(%scan3A_40 = %scan3A) -> (i32)  : i32 {
      %broadcast_in_dim3A_41 = arith.constant 0.000000e+00 : f32
      %broadcast_in_dim3A_42 = vector.broadcast %broadcast_in_dim3A_41 : f32 to vector<16xf32>
      %jit3A = arith.constant 8 : i32
      %div3A = arith.divsi %scan3A_39, %jit3A : i32
      %sign3A = arith.constant 0 : i32
      %sign3A_43 = arith.cmpi sgt, %scan3A_39, %sign3A : i32
      %sign3A_44 = arith.extui %sign3A_43 : i1 to i32
      %sign3A_45 = arith.constant 0 : i32
      %sign3A_46 = arith.cmpi slt, %scan3A_39, %sign3A_45 : i32
      %sign3A_47 = arith.extui %sign3A_46 : i1 to i32
      %sign3A_48 = arith.subi %sign3A_44, %sign3A_47 : i32
      %sign3A_49 = arith.constant 0 : i32
      %sign3A_50 = arith.cmpi sgt, %jit3A, %sign3A_49 : i32
      %sign3A_51 = arith.extui %sign3A_50 : i1 to i32
      %sign3A_52 = arith.constant 0 : i32
      %sign3A_53 = arith.cmpi slt, %jit3A, %sign3A_52 : i32
      %sign3A_54 = arith.extui %sign3A_53 : i1 to i32
      %sign3A_55 = arith.subi %sign3A_51, %sign3A_54 : i32
      %ne3A = arith.cmpi ne, %sign3A_48, %sign3A_55 : i32
      %rem3A = arith.remsi %scan3A_39, %jit3A : i32
      %ne3A_56 = arith.constant 0 : i32
      %ne3A_57 = arith.cmpi ne, %rem3A, %ne3A_56 : i32
      %and3A = arith.andi %ne3A, %ne3A_57 : i1
      %sub3A = arith.constant 1 : i32
      %sub3A_58 = arith.subi %div3A, %sub3A : i32
      %select_n3A = arith.select %and3A, %sub3A_58, %div3A : i32
      %jit3A_59 = arith.constant 8 : i32
      %eq3A = arith.constant 0 : i32
      %eq3A_60 = arith.cmpi eq, %jit3A_59, %eq3A : i32
      %jit3A_61 = arith.constant 1 : i32
      %select_n3A_62 = arith.select %eq3A_60, %jit3A_61, %jit3A_59 : i32
      %rem3A_63 = arith.remsi %scan3A_39, %select_n3A_62 : i32
      %ne3A_64 = arith.constant 0 : i32
      %ne3A_65 = arith.cmpi ne, %rem3A_63, %ne3A_64 : i32
      %lt3A_66 = arith.constant 0 : i32
      %lt3A_67 = arith.cmpi slt, %rem3A_63, %lt3A_66 : i32
      %lt3A_68 = arith.constant 0 : i32
      %lt3A_69 = arith.cmpi slt, %select_n3A_62, %lt3A_68 : i32
      %ne3A_70 = arith.xori %lt3A_67, %lt3A_69 : i1
      %and3A_71 = arith.andi %ne3A_70, %ne3A_65 : i1
      %add3A_72 = arith.addi %rem3A_63, %select_n3A_62 : i32
      %select_n3A_73 = arith.select %and3A_71, %add3A_72, %rem3A_63 : i32
      %mul3A_74 = arith.constant 16 : i32
      %mul3A_75 = arith.muli %select_n3A_73, %mul3A_74 : i32
      %swap3A = arith.index_cast %select_n3A : i32 to index
      %swap3A_76 = arith.index_cast %mul3A_75 : i32 to index
      %swap3A_77 = tpu.vector_load %arg6[%swap3A, %swap3A_76] {strides = array<i32>} : memref<80x128xf32, #tpu.memory_space<vmem>>, vector<16xf32>,
      tpu.vector_store %arg6[%swap3A, %swap3A_76], %broadcast_in_dim3A_42 {strides = array<i32>} : memref<80x128xf32, #tpu.memory_space<vmem>>, vector<16xf32>,
      %scan3A_78 = arith.constant 0 : i32
      scf.yield %scan3A_78 : i32
    }
    %scan3A_6 = arith.constant 640 : i32
    %scan3A_7 = arith.constant 0 : i32
    %scan3A_8 = arith.constant 0 : i32
    %scan3A_9 = arith.constant 64 : i32
    %scan3A_10 = arith.addi %scan3A_8, %scan3A_9 : i32
    %scan3A_11 = arith.constant 1 : i32
    %scan3A_12 = scf.for %scan3A_39 = %scan3A_8 to %scan3A_10 step %scan3A_11 iter_args(%scan3A_40 = %scan3A_7) -> (i32)  : i32 {
      %broadcast_in_dim3A_41 = arith.constant 0.000000e+00 : f32
      %broadcast_in_dim3A_42 = vector.broadcast %broadcast_in_dim3A_41 : f32 to vector<16xf32>
      %jit3A = arith.constant 8 : i32
      %div3A = arith.divsi %scan3A_39, %jit3A : i32
      %sign3A = arith.constant 0 : i32
      %sign3A_43 = arith.cmpi sgt, %scan3A_39, %sign3A : i32
      %sign3A_44 = arith.extui %sign3A_43 : i1 to i32
      %sign3A_45 = arith.constant 0 : i32
      %sign3A_46 = arith.cmpi slt, %scan3A_39, %sign3A_45 : i32
      %sign3A_47 = arith.extui %sign3A_46 : i1 to i32
      %sign3A_48 = arith.subi %sign3A_44, %sign3A_47 : i32
      %sign3A_49 = arith.constant 0 : i32
      %sign3A_50 = arith.cmpi sgt, %jit3A, %sign3A_49 : i32
      %sign3A_51 = arith.extui %sign3A_50 : i1 to i32
      %sign3A_52 = arith.constant 0 : i32
      %sign3A_53 = arith.cmpi slt, %jit3A, %sign3A_52 : i32
      %sign3A_54 = arith.extui %sign3A_53 : i1 to i32
      %sign3A_55 = arith.subi %sign3A_51, %sign3A_54 : i32
      %ne3A = arith.cmpi ne, %sign3A_48, %sign3A_55 : i32
      %rem3A = arith.remsi %scan3A_39, %jit3A : i32
      %ne3A_56 = arith.constant 0 : i32
      %ne3A_57 = arith.cmpi ne, %rem3A, %ne3A_56 : i32
      %and3A = arith.andi %ne3A, %ne3A_57 : i1
      %sub3A = arith.constant 1 : i32
      %sub3A_58 = arith.subi %div3A, %sub3A : i32
      %select_n3A = arith.select %and3A, %sub3A_58, %div3A : i32
      %jit3A_59 = arith.constant 8 : i32
      %eq3A = arith.constant 0 : i32
      %eq3A_60 = arith.cmpi eq, %jit3A_59, %eq3A : i32
      %jit3A_61 = arith.constant 1 : i32
      %select_n3A_62 = arith.select %eq3A_60, %jit3A_61, %jit3A_59 : i32
      %rem3A_63 = arith.remsi %scan3A_39, %select_n3A_62 : i32
      %ne3A_64 = arith.constant 0 : i32
      %ne3A_65 = arith.cmpi ne, %rem3A_63, %ne3A_64 : i32
      %lt3A_66 = arith.constant 0 : i32
      %lt3A_67 = arith.cmpi slt, %rem3A_63, %lt3A_66 : i32
      %lt3A_68 = arith.constant 0 : i32
      %lt3A_69 = arith.cmpi slt, %select_n3A_62, %lt3A_68 : i32
      %ne3A_70 = arith.xori %lt3A_67, %lt3A_69 : i1
      %and3A_71 = arith.andi %ne3A_70, %ne3A_65 : i1
      %add3A_72 = arith.addi %rem3A_63, %select_n3A_62 : i32
      %select_n3A_73 = arith.select %and3A_71, %add3A_72, %rem3A_63 : i32
      %mul3A_74 = arith.constant 16 : i32
      %mul3A_75 = arith.muli %select_n3A_73, %mul3A_74 : i32
      %swap3A = arith.index_cast %select_n3A : i32 to index
      %swap3A_76 = arith.index_cast %mul3A_75 : i32 to index
      %swap3A_77 = tpu.vector_load %arg7[%swap3A, %swap3A_76] {strides = array<i32>} : memref<8x128xf32, #tpu.memory_space<vmem>>, vector<16xf32>,
      tpu.vector_store %arg7[%swap3A, %swap3A_76], %broadcast_in_dim3A_42 {strides = array<i32>} : memref<8x128xf32, #tpu.memory_space<vmem>>, vector<16xf32>,
      %scan3A_78 = arith.constant 0 : i32
      scf.yield %scan3A_78 : i32
    }
    %scan3A_13 = arith.constant 64 : i32
    %scan3A_14 = arith.constant 0 : i32
    %scan3A_15 = arith.constant 0 : i32
    %scan3A_16 = arith.constant 5 : i32
    %scan3A_17 = arith.addi %scan3A_15, %scan3A_16 : i32
    %scan3A_18 = arith.constant 1 : i32
    %scan3A_19 = scf.for %scan3A_39 = %scan3A_15 to %scan3A_17 step %scan3A_18 iter_args(%scan3A_40 = %scan3A_14) -> (i32)  : i32 {
      %iota3A = tpu.iota {dimensions = array<i32: 0>} : vector<16xi32>
      %mul3A_41 = arith.constant 16 : i32
      %mul3A_42 = arith.muli %scan3A_39, %mul3A_41 : i32
      %add3A_43 = vector.broadcast %mul3A_42 : i32 to vector<16xi32>
      %add3A_44 = arith.addi %iota3A, %add3A_43 : vector<16xi32>
      %mul3A_45 = arith.constant 16 : i32
      %mul3A_46 = arith.muli %scan3A_39, %mul3A_45 : i32
      %swap3A = arith.index_cast %mul3A_46 : i32 to index
      %swap3A_47 = tpu.vector_load %arg8[%swap3A] {strides = array<i32>} : memref<80xi32, #tpu.memory_space<vmem>>, vector<16xi32>,
      tpu.vector_store %arg8[%swap3A], %add3A_44 {strides = array<i32>} : memref<80xi32, #tpu.memory_space<vmem>>, vector<16xi32>,
      %scan3A_48 = arith.constant 0 : i32
      scf.yield %scan3A_48 : i32
    }
    %scan3A_20 = arith.constant 5 : i32
    %lt3A = arith.constant 10 : i32
    %lt3A_21 = arith.cmpi slt, %arg1, %lt3A : i32
    %convert_element_type3A = arith.extui %lt3A_21 : i1 to i32
    %cond3A = arith.constant 0 : i32
    %cond3A_22 = arith.cmpi ne, %convert_element_type3A, %cond3A : i32
    scf.if %cond3A_22 {
      %mul3A_39 = arith.constant 8 : i32
      %mul3A_40 = arith.muli %arg1, %mul3A_39 : i32
      "tpu.region"() ({
        %run_scoped3A = tpu.sem_alloc : memref<!tpu.dma_semaphore, #tpu.memory_space<semaphore_mem>>
        %dma_start3A = arith.constant 0 : i32
        %dma_start3A_41 = tpu.memref_slice %arg4[%mul3A_40, %dma_start3A] : memref<80x128xf32, #tpu.memory_space<vmem_shared>> -> memref<8x128xf32, #tpu.memory_space<vmem_shared>>
        %dma_start3A_42 = arith.constant 0 : i32
        %dma_start3A_43 = tpu.memref_slice %arg4[%mul3A_40, %dma_start3A_42] : memref<80x128xf32, #tpu.memory_space<vmem_shared>> -> memref<8x128xf32, #tpu.memory_space<vmem_shared>>
        tpu.enqueue_dma source(%arg7 : memref<8x128xf32, #tpu.memory_space<vmem>>) target(%dma_start3A_43 : memref<8x128xf32, #tpu.memory_space<vmem_shared>>) target_semaphore(%run_scoped3A : memref<!tpu.dma_semaphore, #tpu.memory_space<semaphore_mem>>)
        %dma_wait3A = arith.constant 0 : i32
        %dma_wait3A_44 = tpu.memref_slice %arg4[%mul3A_40, %dma_wait3A] : memref<80x128xf32, #tpu.memory_space<vmem_shared>> -> memref<8x128xf32, #tpu.memory_space<vmem_shared>>
        %dma_wait3A_45 = arith.constant 0 : i32
        %dma_wait3A_46 = tpu.memref_slice %arg4[%mul3A_40, %dma_wait3A_45] : memref<80x128xf32, #tpu.memory_space<vmem_shared>> -> memref<8x128xf32, #tpu.memory_space<vmem_shared>>
        tpu.wait_dma2 semaphore(%run_scoped3A : memref<!tpu.dma_semaphore, #tpu.memory_space<semaphore_mem>>) src(%arg7 : memref<8x128xf32, #tpu.memory_space<vmem>>) dst(%dma_wait3A_46 : memref<8x128xf32, #tpu.memory_space<vmem_shared>>)
        tpu.yield
      }) : () -> ()
    } else {
    }
    %mul3A_23 = arith.constant 10368 : i32
    %mul3A_24 = arith.muli %add3A, %mul3A_23 : i32
    "tpu.region"() ({
      %run_scoped3A = tpu.sem_alloc : memref<!tpu.dma_semaphore, #tpu.memory_space<semaphore_mem>>
      %dma_start3A = tpu.memref_slice %arg2[%mul3A_24] : memref<331776xi32, #tpu.memory_space<hbm>> -> memref<10368xi32, #tpu.memory_space<hbm>>
      %dma_start3A_39 = tpu.memref_slice %arg2[%mul3A_24] : memref<331776xi32, #tpu.memory_space<hbm>> -> memref<10368xi32, #tpu.memory_space<hbm>>
      tpu.enqueue_dma source(%dma_start3A_39 : memref<10368xi32, #tpu.memory_space<hbm>>) target(%arg5 : memref<10368xi32, #tpu.memory_space<vmem>>) target_semaphore(%run_scoped3A : memref<!tpu.dma_semaphore, #tpu.memory_space<semaphore_mem>>)
      %dma_wait3A = tpu.memref_slice %arg2[%mul3A_24] : memref<331776xi32, #tpu.memory_space<hbm>> -> memref<10368xi32, #tpu.memory_space<hbm>>
      %dma_wait3A_40 = tpu.memref_slice %arg2[%mul3A_24] : memref<331776xi32, #tpu.memory_space<hbm>> -> memref<10368xi32, #tpu.memory_space<hbm>>
      tpu.wait_dma2 semaphore(%run_scoped3A : memref<!tpu.dma_semaphore, #tpu.memory_space<semaphore_mem>>) src(%dma_wait3A_40 : memref<10368xi32, #tpu.memory_space<hbm>>) dst(%arg5 : memref<10368xi32, #tpu.memory_space<vmem>>)
      tpu.yield
    }) : () -> ()
    %barrier3A = arith.constant 0 : index
    tpu.barrier barrier_id(%barrier3A)
    %broadcast_in_dim3A = arith.constant 1.000000e+00 : f32
    %broadcast_in_dim3A_25 = vector.broadcast %broadcast_in_dim3A : f32 to vector<16xf32>
    %scan3A_26 = arith.constant 0 : i32
    %scan3A_27 = arith.constant 0 : i32
    %scan3A_28 = arith.constant 648 : i32
    %scan3A_29 = arith.addi %scan3A_27, %scan3A_28 : i32
    %scan3A_30 = arith.constant 1 : i32
    %scan3A_31 = scf.for %scan3A_39 = %scan3A_27 to %scan3A_29 step %scan3A_30 iter_args(%scan3A_40 = %scan3A_26) -> (i32)  : i32 {
      %mul3A_41 = arith.constant 16 : i32
      %mul3A_42 = arith.muli %scan3A_39, %mul3A_41 : i32
      %get3A = arith.index_cast %mul3A_42 : i32 to index
      %get3A_43 = tpu.vector_load %arg5[%get3A] {strides = array<i32>} : memref<10368xi32, #tpu.memory_space<vmem>>, vector<16xi32>,
      %shift_right_logical3A = arith.constant 7 : i32
      %shift_right_logical3A_44 = vector.broadcast %shift_right_logical3A : i32 to vector<16xi32>
      %shift_right_logical3A_45 = arith.shrui %get3A_43, %shift_right_logical3A_44 : vector<16xi32>
      %and3A = arith.constant 127 : i32
      %and3A_46 = vector.broadcast %and3A : i32 to vector<16xi32>
      %and3A_47 = arith.andi %get3A_43, %and3A_46 : vector<16xi32>
      tpu.vector_store_idx %arg6[%shift_right_logical3A_45, %and3A_47], %broadcast_in_dim3A_25 {add = true} : memref<80x128xf32, #tpu.memory_space<vmem>>[vector<16xi32>, vector<16xi32>], vector<16xf32>,
      %scan3A_48 = arith.constant 0 : i32
      scf.yield %scan3A_48 : i32
    }
    %scan3A_32 = arith.constant 648 : i32
    "tpu.region"() ({
      %run_scoped3A = tpu.sem_alloc : memref<!tpu.dma_semaphore, #tpu.memory_space<semaphore_mem>>
      %dma_start3A = arith.constant 0 : i32
      %dma_start3A_39 = arith.constant 0 : i32
      %dma_start3A_40 = tpu.memref_slice %arg4[%dma_start3A, %dma_start3A_39] : memref<80x128xf32, #tpu.memory_space<vmem_shared>> -> memref<80x128xf32, #tpu.memory_space<vmem_shared>>
      tpu.enqueue_indirect_dma source(%arg6 : memref<80x128xf32, #tpu.memory_space<vmem>>) target(%dma_start3A_40 : memref<80x128xf32, #tpu.memory_space<vmem_shared>>) offsets(%arg8 : memref<80xi32, #tpu.memory_space<vmem>>) semaphore(%run_scoped3A : memref<!tpu.dma_semaphore, #tpu.memory_space<semaphore_mem>>) {add = true}
      %dma_wait3A = arith.constant 0 : i32
      %dma_wait3A_41 = arith.constant 0 : i32
      %dma_wait3A_42 = tpu.memref_slice %arg4[%dma_wait3A, %dma_wait3A_41] : memref<80x128xf32, #tpu.memory_space<vmem_shared>> -> memref<80x128xf32, #tpu.memory_space<vmem_shared>>
      tpu.wait_indirect_dma semaphore(%run_scoped3A : memref<!tpu.dma_semaphore, #tpu.memory_space<semaphore_mem>>) src(%arg6 : memref<80x128xf32, #tpu.memory_space<vmem>>) dst(%dma_wait3A_42 : memref<80x128xf32, #tpu.memory_space<vmem_shared>>)
      tpu.yield
    }) : () -> ()
    %barrier3A_33 = arith.constant 0 : index
    tpu.barrier barrier_id(%barrier3A_33)
    %lt3A_34 = arith.constant 10 : i32
    %lt3A_35 = arith.cmpi slt, %arg1, %lt3A_34 : i32
    %convert_element_type3A_36 = arith.extui %lt3A_35 : i1 to i32
    %cond3A_37 = arith.constant 0 : i32
    %cond3A_38 = arith.cmpi ne, %convert_element_type3A_36, %cond3A_37 : i32
    scf.if %cond3A_38 {
      %mul3A_39 = arith.constant 8 : i32
      %mul3A_40 = arith.muli %arg1, %mul3A_39 : i32
      "tpu.region"() ({
        %run_scoped3A = tpu.sem_alloc : memref<!tpu.dma_semaphore, #tpu.memory_space<semaphore_mem>>
        %dma_start3A = arith.constant 0 : i32
        %dma_start3A_46 = tpu.memref_slice %arg4[%mul3A_40, %dma_start3A] : memref<80x128xf32, #tpu.memory_space<vmem_shared>> -> memref<8x128xf32, #tpu.memory_space<vmem_shared>>
        %dma_start3A_47 = arith.constant 0 : i32
        %dma_start3A_48 = tpu.memref_slice %arg4[%mul3A_40, %dma_start3A_47] : memref<80x128xf32, #tpu.memory_space<vmem_shared>> -> memref<8x128xf32, #tpu.memory_space<vmem_shared>>
        tpu.enqueue_dma source(%dma_start3A_48 : memref<8x128xf32, #tpu.memory_space<vmem_shared>>) target(%arg7 : memref<8x128xf32, #tpu.memory_space<vmem>>) target_semaphore(%run_scoped3A : memref<!tpu.dma_semaphore, #tpu.memory_space<semaphore_mem>>)
        %dma_wait3A = arith.constant 0 : i32
        %dma_wait3A_49 = tpu.memref_slice %arg4[%mul3A_40, %dma_wait3A] : memref<80x128xf32, #tpu.memory_space<vmem_shared>> -> memref<8x128xf32, #tpu.memory_space<vmem_shared>>
        %dma_wait3A_50 = arith.constant 0 : i32
        %dma_wait3A_51 = tpu.memref_slice %arg4[%mul3A_40, %dma_wait3A_50] : memref<80x128xf32, #tpu.memory_space<vmem_shared>> -> memref<8x128xf32, #tpu.memory_space<vmem_shared>>
        tpu.wait_dma2 semaphore(%run_scoped3A : memref<!tpu.dma_semaphore, #tpu.memory_space<semaphore_mem>>) src(%dma_wait3A_51 : memref<8x128xf32, #tpu.memory_space<vmem_shared>>) dst(%arg7 : memref<8x128xf32, #tpu.memory_space<vmem>>)
        tpu.yield
      }) : () -> ()
      %mul3A_41 = arith.constant 80 : i32
      %mul3A_42 = arith.muli %arg0, %mul3A_41 : i32
      %mul3A_43 = arith.constant 8 : i32
      %mul3A_44 = arith.muli %arg1, %mul3A_43 : i32
      %add3A_45 = arith.addi %mul3A_42, %mul3A_44 : i32
      "tpu.region"() ({
        %run_scoped3A = tpu.sem_alloc : memref<!tpu.dma_semaphore, #tpu.memory_space<semaphore_mem>>
        %dma_start3A = arith.constant 0 : i32
        %dma_start3A_46 = tpu.memref_slice %arg3[%add3A_45, %dma_start3A] : memref<160x128xf32, #tpu.memory_space<hbm>> -> memref<8x128xf32, #tpu.memory_space<hbm>>
        %dma_start3A_47 = arith.constant 0 : i32
        %dma_start3A_48 = tpu.memref_slice %arg3[%add3A_45, %dma_start3A_47] : memref<160x128xf32, #tpu.memory_space<hbm>> -> memref<8x128xf32, #tpu.memory_space<hbm>>
        tpu.enqueue_dma source(%arg7 : memref<8x128xf32, #tpu.memory_space<vmem>>) target(%dma_start3A_48 : memref<8x128xf32, #tpu.memory_space<hbm>>) target_semaphore(%run_scoped3A : memref<!tpu.dma_semaphore, #tpu.memory_space<semaphore_mem>>)
        %dma_wait3A = arith.constant 0 : i32
        %dma_wait3A_49 = tpu.memref_slice %arg3[%add3A_45, %dma_wait3A] : memref<160x128xf32, #tpu.memory_space<hbm>> -> memref<8x128xf32, #tpu.memory_space<hbm>>
        %dma_wait3A_50 = arith.constant 0 : i32
        %dma_wait3A_51 = tpu.memref_slice %arg3[%add3A_45, %dma_wait3A_50] : memref<160x128xf32, #tpu.memory_space<hbm>> -> memref<8x128xf32, #tpu.memory_space<hbm>>
        tpu.wait_dma2 semaphore(%run_scoped3A : memref<!tpu.dma_semaphore, #tpu.memory_space<semaphore_mem>>) src(%arg7 : memref<8x128xf32, #tpu.memory_space<vmem>>) dst(%dma_wait3A_51 : memref<8x128xf32, #tpu.memory_space<hbm>>)
        tpu.yield
      }) : () -> ()
    } else {
    }
    return
  }
}

#map = affine_map<(d0, d1) -> (0, 0)>
#map1 = affine_map<(d0, d1) -> (0)>
module attributes {stable_mosaic.version = 14 : i64} {
  func.func @msg_kernel(%arg0: i32, %arg1: i32, %arg2: memref<10240x128xf32, #tpu.memory_space<hbm>>, %arg3: memref<331776xi32, #tpu.memory_space<hbm>>, %arg4: memref<331776xi32, #tpu.memory_space<hbm>>, %arg5: memref<20480x128xf32, #tpu.memory_space<hbm>>, %arg6: memref<10240x128xf32, #tpu.memory_space<vmem_shared>>, %arg7: memref<128xi32, #tpu.memory_space<vmem>>, %arg8: memref<128xi32, #tpu.memory_space<vmem>>, %arg9: memref<128x128xf32, #tpu.memory_space<vmem>>, %arg10: memref<!tpu.dma_semaphore, #tpu.memory_space<semaphore_mem>>) attributes {dimension_semantics = [#tpu.dimension_semantics<core_parallel>, #tpu.dimension_semantics<subcore_parallel>], iteration_bounds = array<i64: 2, 16>, scalar_prefetch = 0 : i64, scratch_operands = 5 : i64, tpu.core_type = #tpu.core_type<sc_vector_subcore>, window_params = [{transform_indices = #map}, {transform_indices = #map1}, {transform_indices = #map1}, {transform_indices = #map}]} {
    %mul3A = arith.constant 2 : i32
    %mul3A_0 = arith.muli %arg1, %mul3A : i32
    %add3A = arith.addi %mul3A_0, %arg0 : i32
    %scan3A = arith.constant 0 : i32
    %scan3A_1 = arith.constant 0 : i32
    %scan3A_2 = arith.constant 1024 : i32
    %scan3A_3 = arith.addi %scan3A_1, %scan3A_2 : i32
    %scan3A_4 = arith.constant 1 : i32
    %scan3A_5 = scf.for %scan3A_72 = %scan3A_1 to %scan3A_3 step %scan3A_4 iter_args(%scan3A_73 = %scan3A) -> (i32)  : i32 {
      %broadcast_in_dim3A = arith.constant 0.000000e+00 : f32
      %broadcast_in_dim3A_74 = vector.broadcast %broadcast_in_dim3A : f32 to vector<16xf32>
      %jit3A = arith.constant 8 : i32
      %div3A = arith.divsi %scan3A_72, %jit3A : i32
      %sign3A = arith.constant 0 : i32
      %sign3A_75 = arith.cmpi sgt, %scan3A_72, %sign3A : i32
      %sign3A_76 = arith.extui %sign3A_75 : i1 to i32
      %sign3A_77 = arith.constant 0 : i32
      %sign3A_78 = arith.cmpi slt, %scan3A_72, %sign3A_77 : i32
      %sign3A_79 = arith.extui %sign3A_78 : i1 to i32
      %sign3A_80 = arith.subi %sign3A_76, %sign3A_79 : i32
      %sign3A_81 = arith.constant 0 : i32
      %sign3A_82 = arith.cmpi sgt, %jit3A, %sign3A_81 : i32
      %sign3A_83 = arith.extui %sign3A_82 : i1 to i32
      %sign3A_84 = arith.constant 0 : i32
      %sign3A_85 = arith.cmpi slt, %jit3A, %sign3A_84 : i32
      %sign3A_86 = arith.extui %sign3A_85 : i1 to i32
      %sign3A_87 = arith.subi %sign3A_83, %sign3A_86 : i32
      %ne3A = arith.cmpi ne, %sign3A_80, %sign3A_87 : i32
      %rem3A = arith.remsi %scan3A_72, %jit3A : i32
      %ne3A_88 = arith.constant 0 : i32
      %ne3A_89 = arith.cmpi ne, %rem3A, %ne3A_88 : i32
      %and3A = arith.andi %ne3A, %ne3A_89 : i1
      %sub3A = arith.constant 1 : i32
      %sub3A_90 = arith.subi %div3A, %sub3A : i32
      %select_n3A = arith.select %and3A, %sub3A_90, %div3A : i32
      %jit3A_91 = arith.constant 8 : i32
      %eq3A = arith.constant 0 : i32
      %eq3A_92 = arith.cmpi eq, %jit3A_91, %eq3A : i32
      %jit3A_93 = arith.constant 1 : i32
      %select_n3A_94 = arith.select %eq3A_92, %jit3A_93, %jit3A_91 : i32
      %rem3A_95 = arith.remsi %scan3A_72, %select_n3A_94 : i32
      %ne3A_96 = arith.constant 0 : i32
      %ne3A_97 = arith.cmpi ne, %rem3A_95, %ne3A_96 : i32
      %lt3A = arith.constant 0 : i32
      %lt3A_98 = arith.cmpi slt, %rem3A_95, %lt3A : i32
      %lt3A_99 = arith.constant 0 : i32
      %lt3A_100 = arith.cmpi slt, %select_n3A_94, %lt3A_99 : i32
      %ne3A_101 = arith.xori %lt3A_98, %lt3A_100 : i1
      %and3A_102 = arith.andi %ne3A_101, %ne3A_97 : i1
      %add3A_103 = arith.addi %rem3A_95, %select_n3A_94 : i32
      %select_n3A_104 = arith.select %and3A_102, %add3A_103, %rem3A_95 : i32
      %mul3A_105 = arith.constant 16 : i32
      %mul3A_106 = arith.muli %select_n3A_104, %mul3A_105 : i32
      %swap3A = arith.index_cast %select_n3A : i32 to index
      %swap3A_107 = arith.index_cast %mul3A_106 : i32 to index
      %swap3A_108 = tpu.vector_load %arg9[%swap3A, %swap3A_107] {strides = array<i32>} : memref<128x128xf32, #tpu.memory_space<vmem>>, vector<1x16xf32>,
      %swap3A_109 = vector.shape_cast %swap3A_108 : vector<1x16xf32> to vector<16xf32>
      %swap3A_110 = vector.shape_cast %broadcast_in_dim3A_74 : vector<16xf32> to vector<1x16xf32>
      tpu.vector_store %arg9[%swap3A, %swap3A_107], %swap3A_110 {strides = array<i32>} : memref<128x128xf32, #tpu.memory_space<vmem>>, vector<1x16xf32>,
      %scan3A_111 = arith.constant 0 : i32
      scf.yield %scan3A_111 : i32
    }
    %scan3A_6 = arith.constant 1024 : i32
    %mul3A_7 = arith.constant 640 : i32
    %mul3A_8 = arith.muli %arg1, %mul3A_7 : i32
    %add3A_9 = arith.constant 0 : i32
    %add3A_10 = arith.addi %mul3A_8, %add3A_9 : i32
    "tpu.region"() ({
      %run_scoped3A = tpu.sem_alloc : memref<!tpu.dma_semaphore, #tpu.memory_space<semaphore_mem>>
      %dma_start3A = arith.constant 0 : i32
      %dma_start3A_72 = tpu.memref_slice %arg6[%add3A_10, %dma_start3A] : memref<10240x128xf32, #tpu.memory_space<vmem_shared>> -> memref<128x128xf32, #tpu.memory_space<vmem_shared>>
      %dma_start3A_73 = arith.constant 0 : i32
      %dma_start3A_74 = tpu.memref_slice %arg6[%add3A_10, %dma_start3A_73] : memref<10240x128xf32, #tpu.memory_space<vmem_shared>> -> memref<128x128xf32, #tpu.memory_space<vmem_shared>>
      tpu.enqueue_dma source(%arg9 : memref<128x128xf32, #tpu.memory_space<vmem>>) target(%dma_start3A_74 : memref<128x128xf32, #tpu.memory_space<vmem_shared>>) target_semaphore(%run_scoped3A : memref<!tpu.dma_semaphore, #tpu.memory_space<semaphore_mem>>)
      %dma_wait3A = arith.constant 0 : i32
      %dma_wait3A_75 = tpu.memref_slice %arg6[%add3A_10, %dma_wait3A] : memref<10240x128xf32, #tpu.memory_space<vmem_shared>> -> memref<128x128xf32, #tpu.memory_space<vmem_shared>>
      %dma_wait3A_76 = arith.constant 0 : i32
      %dma_wait3A_77 = tpu.memref_slice %arg6[%add3A_10, %dma_wait3A_76] : memref<10240x128xf32, #tpu.memory_space<vmem_shared>> -> memref<128x128xf32, #tpu.memory_space<vmem_shared>>
      tpu.wait_dma2 semaphore(%run_scoped3A : memref<!tpu.dma_semaphore, #tpu.memory_space<semaphore_mem>>) src(%arg9 : memref<128x128xf32, #tpu.memory_space<vmem>>) dst(%dma_wait3A_77 : memref<128x128xf32, #tpu.memory_space<vmem_shared>>)
      tpu.yield
    }) : () -> ()
    %mul3A_11 = arith.constant 640 : i32
    %mul3A_12 = arith.muli %arg1, %mul3A_11 : i32
    %add3A_13 = arith.constant 128 : i32
    %add3A_14 = arith.addi %mul3A_12, %add3A_13 : i32
    "tpu.region"() ({
      %run_scoped3A = tpu.sem_alloc : memref<!tpu.dma_semaphore, #tpu.memory_space<semaphore_mem>>
      %dma_start3A = arith.constant 0 : i32
      %dma_start3A_72 = tpu.memref_slice %arg6[%add3A_14, %dma_start3A] : memref<10240x128xf32, #tpu.memory_space<vmem_shared>> -> memref<128x128xf32, #tpu.memory_space<vmem_shared>>
      %dma_start3A_73 = arith.constant 0 : i32
      %dma_start3A_74 = tpu.memref_slice %arg6[%add3A_14, %dma_start3A_73] : memref<10240x128xf32, #tpu.memory_space<vmem_shared>> -> memref<128x128xf32, #tpu.memory_space<vmem_shared>>
      tpu.enqueue_dma source(%arg9 : memref<128x128xf32, #tpu.memory_space<vmem>>) target(%dma_start3A_74 : memref<128x128xf32, #tpu.memory_space<vmem_shared>>) target_semaphore(%run_scoped3A : memref<!tpu.dma_semaphore, #tpu.memory_space<semaphore_mem>>)
      %dma_wait3A = arith.constant 0 : i32
      %dma_wait3A_75 = tpu.memref_slice %arg6[%add3A_14, %dma_wait3A] : memref<10240x128xf32, #tpu.memory_space<vmem_shared>> -> memref<128x128xf32, #tpu.memory_space<vmem_shared>>
      %dma_wait3A_76 = arith.constant 0 : i32
      %dma_wait3A_77 = tpu.memref_slice %arg6[%add3A_14, %dma_wait3A_76] : memref<10240x128xf32, #tpu.memory_space<vmem_shared>> -> memref<128x128xf32, #tpu.memory_space<vmem_shared>>
      tpu.wait_dma2 semaphore(%run_scoped3A : memref<!tpu.dma_semaphore, #tpu.memory_space<semaphore_mem>>) src(%arg9 : memref<128x128xf32, #tpu.memory_space<vmem>>) dst(%dma_wait3A_77 : memref<128x128xf32, #tpu.memory_space<vmem_shared>>)
      tpu.yield
    }) : () -> ()
    %mul3A_15 = arith.constant 640 : i32
    %mul3A_16 = arith.muli %arg1, %mul3A_15 : i32
    %add3A_17 = arith.constant 256 : i32
    %add3A_18 = arith.addi %mul3A_16, %add3A_17 : i32
    "tpu.region"() ({
      %run_scoped3A = tpu.sem_alloc : memref<!tpu.dma_semaphore, #tpu.memory_space<semaphore_mem>>
      %dma_start3A = arith.constant 0 : i32
      %dma_start3A_72 = tpu.memref_slice %arg6[%add3A_18, %dma_start3A] : memref<10240x128xf32, #tpu.memory_space<vmem_shared>> -> memref<128x128xf32, #tpu.memory_space<vmem_shared>>
      %dma_start3A_73 = arith.constant 0 : i32
      %dma_start3A_74 = tpu.memref_slice %arg6[%add3A_18, %dma_start3A_73] : memref<10240x128xf32, #tpu.memory_space<vmem_shared>> -> memref<128x128xf32, #tpu.memory_space<vmem_shared>>
      tpu.enqueue_dma source(%arg9 : memref<128x128xf32, #tpu.memory_space<vmem>>) target(%dma_start3A_74 : memref<128x128xf32, #tpu.memory_space<vmem_shared>>) target_semaphore(%run_scoped3A : memref<!tpu.dma_semaphore, #tpu.memory_space<semaphore_mem>>)
      %dma_wait3A = arith.constant 0 : i32
      %dma_wait3A_75 = tpu.memref_slice %arg6[%add3A_18, %dma_wait3A] : memref<10240x128xf32, #tpu.memory_space<vmem_shared>> -> memref<128x128xf32, #tpu.memory_space<vmem_shared>>
      %dma_wait3A_76 = arith.constant 0 : i32
      %dma_wait3A_77 = tpu.memref_slice %arg6[%add3A_18, %dma_wait3A_76] : memref<10240x128xf32, #tpu.memory_space<vmem_shared>> -> memref<128x128xf32, #tpu.memory_space<vmem_shared>>
      tpu.wait_dma2 semaphore(%run_scoped3A : memref<!tpu.dma_semaphore, #tpu.memory_space<semaphore_mem>>) src(%arg9 : memref<128x128xf32, #tpu.memory_space<vmem>>) dst(%dma_wait3A_77 : memref<128x128xf32, #tpu.memory_space<vmem_shared>>)
      tpu.yield
    }) : () -> ()
    %mul3A_19 = arith.constant 640 : i32
    %mul3A_20 = arith.muli %arg1, %mul3A_19 : i32
    %add3A_21 = arith.constant 384 : i32
    %add3A_22 = arith.addi %mul3A_20, %add3A_21 : i32
    "tpu.region"() ({
      %run_scoped3A = tpu.sem_alloc : memref<!tpu.dma_semaphore, #tpu.memory_space<semaphore_mem>>
      %dma_start3A = arith.constant 0 : i32
      %dma_start3A_72 = tpu.memref_slice %arg6[%add3A_22, %dma_start3A] : memref<10240x128xf32, #tpu.memory_space<vmem_shared>> -> memref<128x128xf32, #tpu.memory_space<vmem_shared>>
      %dma_start3A_73 = arith.constant 0 : i32
      %dma_start3A_74 = tpu.memref_slice %arg6[%add3A_22, %dma_start3A_73] : memref<10240x128xf32, #tpu.memory_space<vmem_shared>> -> memref<128x128xf32, #tpu.memory_space<vmem_shared>>
      tpu.enqueue_dma source(%arg9 : memref<128x128xf32, #tpu.memory_space<vmem>>) target(%dma_start3A_74 : memref<128x128xf32, #tpu.memory_space<vmem_shared>>) target_semaphore(%run_scoped3A : memref<!tpu.dma_semaphore, #tpu.memory_space<semaphore_mem>>)
      %dma_wait3A = arith.constant 0 : i32
      %dma_wait3A_75 = tpu.memref_slice %arg6[%add3A_22, %dma_wait3A] : memref<10240x128xf32, #tpu.memory_space<vmem_shared>> -> memref<128x128xf32, #tpu.memory_space<vmem_shared>>
      %dma_wait3A_76 = arith.constant 0 : i32
      %dma_wait3A_77 = tpu.memref_slice %arg6[%add3A_22, %dma_wait3A_76] : memref<10240x128xf32, #tpu.memory_space<vmem_shared>> -> memref<128x128xf32, #tpu.memory_space<vmem_shared>>
      tpu.wait_dma2 semaphore(%run_scoped3A : memref<!tpu.dma_semaphore, #tpu.memory_space<semaphore_mem>>) src(%arg9 : memref<128x128xf32, #tpu.memory_space<vmem>>) dst(%dma_wait3A_77 : memref<128x128xf32, #tpu.memory_space<vmem_shared>>)
      tpu.yield
    }) : () -> ()
    %mul3A_23 = arith.constant 640 : i32
    %mul3A_24 = arith.muli %arg1, %mul3A_23 : i32
    %add3A_25 = arith.constant 512 : i32
    %add3A_26 = arith.addi %mul3A_24, %add3A_25 : i32
    "tpu.region"() ({
      %run_scoped3A = tpu.sem_alloc : memref<!tpu.dma_semaphore, #tpu.memory_space<semaphore_mem>>
      %dma_start3A = arith.constant 0 : i32
      %dma_start3A_72 = tpu.memref_slice %arg6[%add3A_26, %dma_start3A] : memref<10240x128xf32, #tpu.memory_space<vmem_shared>> -> memref<128x128xf32, #tpu.memory_space<vmem_shared>>
      %dma_start3A_73 = arith.constant 0 : i32
      %dma_start3A_74 = tpu.memref_slice %arg6[%add3A_26, %dma_start3A_73] : memref<10240x128xf32, #tpu.memory_space<vmem_shared>> -> memref<128x128xf32, #tpu.memory_space<vmem_shared>>
      tpu.enqueue_dma source(%arg9 : memref<128x128xf32, #tpu.memory_space<vmem>>) target(%dma_start3A_74 : memref<128x128xf32, #tpu.memory_space<vmem_shared>>) target_semaphore(%run_scoped3A : memref<!tpu.dma_semaphore, #tpu.memory_space<semaphore_mem>>)
      %dma_wait3A = arith.constant 0 : i32
      %dma_wait3A_75 = tpu.memref_slice %arg6[%add3A_26, %dma_wait3A] : memref<10240x128xf32, #tpu.memory_space<vmem_shared>> -> memref<128x128xf32, #tpu.memory_space<vmem_shared>>
      %dma_wait3A_76 = arith.constant 0 : i32
      %dma_wait3A_77 = tpu.memref_slice %arg6[%add3A_26, %dma_wait3A_76] : memref<10240x128xf32, #tpu.memory_space<vmem_shared>> -> memref<128x128xf32, #tpu.memory_space<vmem_shared>>
      tpu.wait_dma2 semaphore(%run_scoped3A : memref<!tpu.dma_semaphore, #tpu.memory_space<semaphore_mem>>) src(%arg9 : memref<128x128xf32, #tpu.memory_space<vmem>>) dst(%dma_wait3A_77 : memref<128x128xf32, #tpu.memory_space<vmem_shared>>)
      tpu.yield
    }) : () -> ()
    %barrier3A = arith.constant 0 : index
    tpu.barrier barrier_id(%barrier3A)
    %mul3A_27 = arith.constant 10368 : i32
    %mul3A_28 = arith.muli %add3A, %mul3A_27 : i32
    %scan3A_29 = arith.constant 0 : i32
    %scan3A_30 = arith.constant 0 : i32
    %scan3A_31 = arith.constant 81 : i32
    %scan3A_32 = arith.addi %scan3A_30, %scan3A_31 : i32
    %scan3A_33 = arith.constant 1 : i32
    %scan3A_34 = scf.for %scan3A_72 = %scan3A_30 to %scan3A_32 step %scan3A_33 iter_args(%scan3A_73 = %scan3A_29) -> (i32)  : i32 {
      %mul3A_74 = arith.constant 128 : i32
      %mul3A_75 = arith.muli %scan3A_72, %mul3A_74 : i32
      %add3A_76 = arith.addi %mul3A_28, %mul3A_75 : i32
      "tpu.region"() ({
        %run_scoped3A = tpu.sem_alloc : memref<!tpu.dma_semaphore, #tpu.memory_space<semaphore_mem>>
        %dma_start3A_82 = tpu.memref_slice %arg3[%add3A_76] : memref<331776xi32, #tpu.memory_space<hbm>> -> memref<128xi32, #tpu.memory_space<hbm>>
        %dma_start3A_83 = tpu.memref_slice %arg3[%add3A_76] : memref<331776xi32, #tpu.memory_space<hbm>> -> memref<128xi32, #tpu.memory_space<hbm>>
        tpu.enqueue_dma source(%dma_start3A_83 : memref<128xi32, #tpu.memory_space<hbm>>) target(%arg7 : memref<128xi32, #tpu.memory_space<vmem>>) target_semaphore(%run_scoped3A : memref<!tpu.dma_semaphore, #tpu.memory_space<semaphore_mem>>)
        %dma_wait3A_84 = tpu.memref_slice %arg3[%add3A_76] : memref<331776xi32, #tpu.memory_space<hbm>> -> memref<128xi32, #tpu.memory_space<hbm>>
        %dma_wait3A_85 = tpu.memref_slice %arg3[%add3A_76] : memref<331776xi32, #tpu.memory_space<hbm>> -> memref<128xi32, #tpu.memory_space<hbm>>
        tpu.wait_dma2 semaphore(%run_scoped3A : memref<!tpu.dma_semaphore, #tpu.memory_space<semaphore_mem>>) src(%dma_wait3A_85 : memref<128xi32, #tpu.memory_space<hbm>>) dst(%arg7 : memref<128xi32, #tpu.memory_space<vmem>>)
        tpu.yield
      }) : () -> ()
      "tpu.region"() ({
        %run_scoped3A = tpu.sem_alloc : memref<!tpu.dma_semaphore, #tpu.memory_space<semaphore_mem>>
        %dma_start3A_82 = tpu.memref_slice %arg4[%add3A_76] : memref<331776xi32, #tpu.memory_space<hbm>> -> memref<128xi32, #tpu.memory_space<hbm>>
        %dma_start3A_83 = tpu.memref_slice %arg4[%add3A_76] : memref<331776xi32, #tpu.memory_space<hbm>> -> memref<128xi32, #tpu.memory_space<hbm>>
        tpu.enqueue_dma source(%dma_start3A_83 : memref<128xi32, #tpu.memory_space<hbm>>) target(%arg8 : memref<128xi32, #tpu.memory_space<vmem>>) target_semaphore(%run_scoped3A : memref<!tpu.dma_semaphore, #tpu.memory_space<semaphore_mem>>)
        %dma_wait3A_84 = tpu.memref_slice %arg4[%add3A_76] : memref<331776xi32, #tpu.memory_space<hbm>> -> memref<128xi32, #tpu.memory_space<hbm>>
        %dma_wait3A_85 = tpu.memref_slice %arg4[%add3A_76] : memref<331776xi32, #tpu.memory_space<hbm>> -> memref<128xi32, #tpu.memory_space<hbm>>
        tpu.wait_dma2 semaphore(%run_scoped3A : memref<!tpu.dma_semaphore, #tpu.memory_space<semaphore_mem>>) src(%dma_wait3A_85 : memref<128xi32, #tpu.memory_space<hbm>>) dst(%arg8 : memref<128xi32, #tpu.memory_space<vmem>>)
        tpu.yield
      }) : () -> ()
      %dma_start3A = arith.constant 0 : i32
      %dma_start3A_77 = arith.constant 0 : i32
      %dma_start3A_78 = tpu.memref_slice %arg2[%dma_start3A, %dma_start3A_77] : memref<10240x128xf32, #tpu.memory_space<hbm>> -> memref<10240x128xf32, #tpu.memory_space<hbm>>
      tpu.enqueue_indirect_dma source(%dma_start3A_78 : memref<10240x128xf32, #tpu.memory_space<hbm>>) target(%arg9 : memref<128x128xf32, #tpu.memory_space<vmem>>) offsets(%arg7 : memref<128xi32, #tpu.memory_space<vmem>>) semaphore(%arg10 : memref<!tpu.dma_semaphore, #tpu.memory_space<semaphore_mem>>)
      %dma_wait3A = arith.constant 0 : i32
      %dma_wait3A_79 = arith.constant 0 : i32
      %dma_wait3A_80 = tpu.memref_slice %arg2[%dma_wait3A, %dma_wait3A_79] : memref<10240x128xf32, #tpu.memory_space<hbm>> -> memref<10240x128xf32, #tpu.memory_space<hbm>>
      tpu.wait_indirect_dma semaphore(%arg10 : memref<!tpu.dma_semaphore, #tpu.memory_space<semaphore_mem>>) src(%dma_wait3A_80 : memref<10240x128xf32, #tpu.memory_space<hbm>>) dst(%arg9 : memref<128x128xf32, #tpu.memory_space<vmem>>)
      "tpu.region"() ({
        %run_scoped3A = tpu.sem_alloc : memref<!tpu.dma_semaphore, #tpu.memory_space<semaphore_mem>>
        %dma_start3A_82 = arith.constant 0 : i32
        %dma_start3A_83 = arith.constant 0 : i32
        %dma_start3A_84 = tpu.memref_slice %arg6[%dma_start3A_82, %dma_start3A_83] : memref<10240x128xf32, #tpu.memory_space<vmem_shared>> -> memref<10240x128xf32, #tpu.memory_space<vmem_shared>>
        tpu.enqueue_indirect_dma source(%arg9 : memref<128x128xf32, #tpu.memory_space<vmem>>) target(%dma_start3A_84 : memref<10240x128xf32, #tpu.memory_space<vmem_shared>>) offsets(%arg8 : memref<128xi32, #tpu.memory_space<vmem>>) semaphore(%run_scoped3A : memref<!tpu.dma_semaphore, #tpu.memory_space<semaphore_mem>>) {add = true}
        %dma_wait3A_85 = arith.constant 0 : i32
        %dma_wait3A_86 = arith.constant 0 : i32
        %dma_wait3A_87 = tpu.memref_slice %arg6[%dma_wait3A_85, %dma_wait3A_86] : memref<10240x128xf32, #tpu.memory_space<vmem_shared>> -> memref<10240x128xf32, #tpu.memory_space<vmem_shared>>
        tpu.wait_indirect_dma semaphore(%run_scoped3A : memref<!tpu.dma_semaphore, #tpu.memory_space<semaphore_mem>>) src(%arg9 : memref<128x128xf32, #tpu.memory_space<vmem>>) dst(%dma_wait3A_87 : memref<10240x128xf32, #tpu.memory_space<vmem_shared>>)
        tpu.yield
      }) : () -> ()
      %scan3A_81 = arith.constant 0 : i32
      scf.yield %scan3A_81 : i32
    }
    %scan3A_35 = arith.constant 81 : i32
    %barrier3A_36 = arith.constant 0 : index
    tpu.barrier barrier_id(%barrier3A_36)
    %mul3A_37 = arith.constant 640 : i32
    %mul3A_38 = arith.muli %arg1, %mul3A_37 : i32
    %add3A_39 = arith.constant 0 : i32
    %add3A_40 = arith.addi %mul3A_38, %add3A_39 : i32
    "tpu.region"() ({
      %run_scoped3A = tpu.sem_alloc : memref<!tpu.dma_semaphore, #tpu.memory_space<semaphore_mem>>
      %dma_start3A = arith.constant 0 : i32
      %dma_start3A_72 = tpu.memref_slice %arg6[%add3A_40, %dma_start3A] : memref<10240x128xf32, #tpu.memory_space<vmem_shared>> -> memref<128x128xf32, #tpu.memory_space<vmem_shared>>
      %dma_start3A_73 = arith.constant 0 : i32
      %dma_start3A_74 = tpu.memref_slice %arg6[%add3A_40, %dma_start3A_73] : memref<10240x128xf32, #tpu.memory_space<vmem_shared>> -> memref<128x128xf32, #tpu.memory_space<vmem_shared>>
      tpu.enqueue_dma source(%dma_start3A_74 : memref<128x128xf32, #tpu.memory_space<vmem_shared>>) target(%arg9 : memref<128x128xf32, #tpu.memory_space<vmem>>) target_semaphore(%run_scoped3A : memref<!tpu.dma_semaphore, #tpu.memory_space<semaphore_mem>>)
      %dma_wait3A = arith.constant 0 : i32
      %dma_wait3A_75 = tpu.memref_slice %arg6[%add3A_40, %dma_wait3A] : memref<10240x128xf32, #tpu.memory_space<vmem_shared>> -> memref<128x128xf32, #tpu.memory_space<vmem_shared>>
      %dma_wait3A_76 = arith.constant 0 : i32
      %dma_wait3A_77 = tpu.memref_slice %arg6[%add3A_40, %dma_wait3A_76] : memref<10240x128xf32, #tpu.memory_space<vmem_shared>> -> memref<128x128xf32, #tpu.memory_space<vmem_shared>>
      tpu.wait_dma2 semaphore(%run_scoped3A : memref<!tpu.dma_semaphore, #tpu.memory_space<semaphore_mem>>) src(%dma_wait3A_77 : memref<128x128xf32, #tpu.memory_space<vmem_shared>>) dst(%arg9 : memref<128x128xf32, #tpu.memory_space<vmem>>)
      tpu.yield
    }) : () -> ()
    %mul3A_41 = arith.constant 10240 : i32
    %mul3A_42 = arith.muli %arg0, %mul3A_41 : i32
    %add3A_43 = arith.addi %mul3A_42, %add3A_40 : i32
    "tpu.region"() ({
      %run_scoped3A = tpu.sem_alloc : memref<!tpu.dma_semaphore, #tpu.memory_space<semaphore_mem>>
      %dma_start3A = arith.constant 0 : i32
      %dma_start3A_72 = tpu.memref_slice %arg5[%add3A_43, %dma_start3A] : memref<20480x128xf32, #tpu.memory_space<hbm>> -> memref<128x128xf32, #tpu.memory_space<hbm>>
      %dma_start3A_73 = arith.constant 0 : i32
      %dma_start3A_74 = tpu.memref_slice %arg5[%add3A_43, %dma_start3A_73] : memref<20480x128xf32, #tpu.memory_space<hbm>> -> memref<128x128xf32, #tpu.memory_space<hbm>>
      tpu.enqueue_dma source(%arg9 : memref<128x128xf32, #tpu.memory_space<vmem>>) target(%dma_start3A_74 : memref<128x128xf32, #tpu.memory_space<hbm>>) target_semaphore(%run_scoped3A : memref<!tpu.dma_semaphore, #tpu.memory_space<semaphore_mem>>)
      %dma_wait3A = arith.constant 0 : i32
      %dma_wait3A_75 = tpu.memref_slice %arg5[%add3A_43, %dma_wait3A] : memref<20480x128xf32, #tpu.memory_space<hbm>> -> memref<128x128xf32, #tpu.memory_space<hbm>>
      %dma_wait3A_76 = arith.constant 0 : i32
      %dma_wait3A_77 = tpu.memref_slice %arg5[%add3A_43, %dma_wait3A_76] : memref<20480x128xf32, #tpu.memory_space<hbm>> -> memref<128x128xf32, #tpu.memory_space<hbm>>
      tpu.wait_dma2 semaphore(%run_scoped3A : memref<!tpu.dma_semaphore, #tpu.memory_space<semaphore_mem>>) src(%arg9 : memref<128x128xf32, #tpu.memory_space<vmem>>) dst(%dma_wait3A_77 : memref<128x128xf32, #tpu.memory_space<hbm>>)
      tpu.yield
    }) : () -> ()
    %mul3A_44 = arith.constant 640 : i32
    %mul3A_45 = arith.muli %arg1, %mul3A_44 : i32
    %add3A_46 = arith.constant 128 : i32
    %add3A_47 = arith.addi %mul3A_45, %add3A_46 : i32
    "tpu.region"() ({
      %run_scoped3A = tpu.sem_alloc : memref<!tpu.dma_semaphore, #tpu.memory_space<semaphore_mem>>
      %dma_start3A = arith.constant 0 : i32
      %dma_start3A_72 = tpu.memref_slice %arg6[%add3A_47, %dma_start3A] : memref<10240x128xf32, #tpu.memory_space<vmem_shared>> -> memref<128x128xf32, #tpu.memory_space<vmem_shared>>
      %dma_start3A_73 = arith.constant 0 : i32
      %dma_start3A_74 = tpu.memref_slice %arg6[%add3A_47, %dma_start3A_73] : memref<10240x128xf32, #tpu.memory_space<vmem_shared>> -> memref<128x128xf32, #tpu.memory_space<vmem_shared>>
      tpu.enqueue_dma source(%dma_start3A_74 : memref<128x128xf32, #tpu.memory_space<vmem_shared>>) target(%arg9 : memref<128x128xf32, #tpu.memory_space<vmem>>) target_semaphore(%run_scoped3A : memref<!tpu.dma_semaphore, #tpu.memory_space<semaphore_mem>>)
      %dma_wait3A = arith.constant 0 : i32
      %dma_wait3A_75 = tpu.memref_slice %arg6[%add3A_47, %dma_wait3A] : memref<10240x128xf32, #tpu.memory_space<vmem_shared>> -> memref<128x128xf32, #tpu.memory_space<vmem_shared>>
      %dma_wait3A_76 = arith.constant 0 : i32
      %dma_wait3A_77 = tpu.memref_slice %arg6[%add3A_47, %dma_wait3A_76] : memref<10240x128xf32, #tpu.memory_space<vmem_shared>> -> memref<128x128xf32, #tpu.memory_space<vmem_shared>>
      tpu.wait_dma2 semaphore(%run_scoped3A : memref<!tpu.dma_semaphore, #tpu.memory_space<semaphore_mem>>) src(%dma_wait3A_77 : memref<128x128xf32, #tpu.memory_space<vmem_shared>>) dst(%arg9 : memref<128x128xf32, #tpu.memory_space<vmem>>)
      tpu.yield
    }) : () -> ()
    %mul3A_48 = arith.constant 10240 : i32
    %mul3A_49 = arith.muli %arg0, %mul3A_48 : i32
    %add3A_50 = arith.addi %mul3A_49, %add3A_47 : i32
    "tpu.region"() ({
      %run_scoped3A = tpu.sem_alloc : memref<!tpu.dma_semaphore, #tpu.memory_space<semaphore_mem>>
      %dma_start3A = arith.constant 0 : i32
      %dma_start3A_72 = tpu.memref_slice %arg5[%add3A_50, %dma_start3A] : memref<20480x128xf32, #tpu.memory_space<hbm>> -> memref<128x128xf32, #tpu.memory_space<hbm>>
      %dma_start3A_73 = arith.constant 0 : i32
      %dma_start3A_74 = tpu.memref_slice %arg5[%add3A_50, %dma_start3A_73] : memref<20480x128xf32, #tpu.memory_space<hbm>> -> memref<128x128xf32, #tpu.memory_space<hbm>>
      tpu.enqueue_dma source(%arg9 : memref<128x128xf32, #tpu.memory_space<vmem>>) target(%dma_start3A_74 : memref<128x128xf32, #tpu.memory_space<hbm>>) target_semaphore(%run_scoped3A : memref<!tpu.dma_semaphore, #tpu.memory_space<semaphore_mem>>)
      %dma_wait3A = arith.constant 0 : i32
      %dma_wait3A_75 = tpu.memref_slice %arg5[%add3A_50, %dma_wait3A] : memref<20480x128xf32, #tpu.memory_space<hbm>> -> memref<128x128xf32, #tpu.memory_space<hbm>>
      %dma_wait3A_76 = arith.constant 0 : i32
      %dma_wait3A_77 = tpu.memref_slice %arg5[%add3A_50, %dma_wait3A_76] : memref<20480x128xf32, #tpu.memory_space<hbm>> -> memref<128x128xf32, #tpu.memory_space<hbm>>
      tpu.wait_dma2 semaphore(%run_scoped3A : memref<!tpu.dma_semaphore, #tpu.memory_space<semaphore_mem>>) src(%arg9 : memref<128x128xf32, #tpu.memory_space<vmem>>) dst(%dma_wait3A_77 : memref<128x128xf32, #tpu.memory_space<hbm>>)
      tpu.yield
    }) : () -> ()
    %mul3A_51 = arith.constant 640 : i32
    %mul3A_52 = arith.muli %arg1, %mul3A_51 : i32
    %add3A_53 = arith.constant 256 : i32
    %add3A_54 = arith.addi %mul3A_52, %add3A_53 : i32
    "tpu.region"() ({
      %run_scoped3A = tpu.sem_alloc : memref<!tpu.dma_semaphore, #tpu.memory_space<semaphore_mem>>
      %dma_start3A = arith.constant 0 : i32
      %dma_start3A_72 = tpu.memref_slice %arg6[%add3A_54, %dma_start3A] : memref<10240x128xf32, #tpu.memory_space<vmem_shared>> -> memref<128x128xf32, #tpu.memory_space<vmem_shared>>
      %dma_start3A_73 = arith.constant 0 : i32
      %dma_start3A_74 = tpu.memref_slice %arg6[%add3A_54, %dma_start3A_73] : memref<10240x128xf32, #tpu.memory_space<vmem_shared>> -> memref<128x128xf32, #tpu.memory_space<vmem_shared>>
      tpu.enqueue_dma source(%dma_start3A_74 : memref<128x128xf32, #tpu.memory_space<vmem_shared>>) target(%arg9 : memref<128x128xf32, #tpu.memory_space<vmem>>) target_semaphore(%run_scoped3A : memref<!tpu.dma_semaphore, #tpu.memory_space<semaphore_mem>>)
      %dma_wait3A = arith.constant 0 : i32
      %dma_wait3A_75 = tpu.memref_slice %arg6[%add3A_54, %dma_wait3A] : memref<10240x128xf32, #tpu.memory_space<vmem_shared>> -> memref<128x128xf32, #tpu.memory_space<vmem_shared>>
      %dma_wait3A_76 = arith.constant 0 : i32
      %dma_wait3A_77 = tpu.memref_slice %arg6[%add3A_54, %dma_wait3A_76] : memref<10240x128xf32, #tpu.memory_space<vmem_shared>> -> memref<128x128xf32, #tpu.memory_space<vmem_shared>>
      tpu.wait_dma2 semaphore(%run_scoped3A : memref<!tpu.dma_semaphore, #tpu.memory_space<semaphore_mem>>) src(%dma_wait3A_77 : memref<128x128xf32, #tpu.memory_space<vmem_shared>>) dst(%arg9 : memref<128x128xf32, #tpu.memory_space<vmem>>)
      tpu.yield
    }) : () -> ()
    %mul3A_55 = arith.constant 10240 : i32
    %mul3A_56 = arith.muli %arg0, %mul3A_55 : i32
    %add3A_57 = arith.addi %mul3A_56, %add3A_54 : i32
    "tpu.region"() ({
      %run_scoped3A = tpu.sem_alloc : memref<!tpu.dma_semaphore, #tpu.memory_space<semaphore_mem>>
      %dma_start3A = arith.constant 0 : i32
      %dma_start3A_72 = tpu.memref_slice %arg5[%add3A_57, %dma_start3A] : memref<20480x128xf32, #tpu.memory_space<hbm>> -> memref<128x128xf32, #tpu.memory_space<hbm>>
      %dma_start3A_73 = arith.constant 0 : i32
      %dma_start3A_74 = tpu.memref_slice %arg5[%add3A_57, %dma_start3A_73] : memref<20480x128xf32, #tpu.memory_space<hbm>> -> memref<128x128xf32, #tpu.memory_space<hbm>>
      tpu.enqueue_dma source(%arg9 : memref<128x128xf32, #tpu.memory_space<vmem>>) target(%dma_start3A_74 : memref<128x128xf32, #tpu.memory_space<hbm>>) target_semaphore(%run_scoped3A : memref<!tpu.dma_semaphore, #tpu.memory_space<semaphore_mem>>)
      %dma_wait3A = arith.constant 0 : i32
      %dma_wait3A_75 = tpu.memref_slice %arg5[%add3A_57, %dma_wait3A] : memref<20480x128xf32, #tpu.memory_space<hbm>> -> memref<128x128xf32, #tpu.memory_space<hbm>>
      %dma_wait3A_76 = arith.constant 0 : i32
      %dma_wait3A_77 = tpu.memref_slice %arg5[%add3A_57, %dma_wait3A_76] : memref<20480x128xf32, #tpu.memory_space<hbm>> -> memref<128x128xf32, #tpu.memory_space<hbm>>
      tpu.wait_dma2 semaphore(%run_scoped3A : memref<!tpu.dma_semaphore, #tpu.memory_space<semaphore_mem>>) src(%arg9 : memref<128x128xf32, #tpu.memory_space<vmem>>) dst(%dma_wait3A_77 : memref<128x128xf32, #tpu.memory_space<hbm>>)
      tpu.yield
    }) : () -> ()
    %mul3A_58 = arith.constant 640 : i32
    %mul3A_59 = arith.muli %arg1, %mul3A_58 : i32
    %add3A_60 = arith.constant 384 : i32
    %add3A_61 = arith.addi %mul3A_59, %add3A_60 : i32
    "tpu.region"() ({
      %run_scoped3A = tpu.sem_alloc : memref<!tpu.dma_semaphore, #tpu.memory_space<semaphore_mem>>
      %dma_start3A = arith.constant 0 : i32
      %dma_start3A_72 = tpu.memref_slice %arg6[%add3A_61, %dma_start3A] : memref<10240x128xf32, #tpu.memory_space<vmem_shared>> -> memref<128x128xf32, #tpu.memory_space<vmem_shared>>
      %dma_start3A_73 = arith.constant 0 : i32
      %dma_start3A_74 = tpu.memref_slice %arg6[%add3A_61, %dma_start3A_73] : memref<10240x128xf32, #tpu.memory_space<vmem_shared>> -> memref<128x128xf32, #tpu.memory_space<vmem_shared>>
      tpu.enqueue_dma source(%dma_start3A_74 : memref<128x128xf32, #tpu.memory_space<vmem_shared>>) target(%arg9 : memref<128x128xf32, #tpu.memory_space<vmem>>) target_semaphore(%run_scoped3A : memref<!tpu.dma_semaphore, #tpu.memory_space<semaphore_mem>>)
      %dma_wait3A = arith.constant 0 : i32
      %dma_wait3A_75 = tpu.memref_slice %arg6[%add3A_61, %dma_wait3A] : memref<10240x128xf32, #tpu.memory_space<vmem_shared>> -> memref<128x128xf32, #tpu.memory_space<vmem_shared>>
      %dma_wait3A_76 = arith.constant 0 : i32
      %dma_wait3A_77 = tpu.memref_slice %arg6[%add3A_61, %dma_wait3A_76] : memref<10240x128xf32, #tpu.memory_space<vmem_shared>> -> memref<128x128xf32, #tpu.memory_space<vmem_shared>>
      tpu.wait_dma2 semaphore(%run_scoped3A : memref<!tpu.dma_semaphore, #tpu.memory_space<semaphore_mem>>) src(%dma_wait3A_77 : memref<128x128xf32, #tpu.memory_space<vmem_shared>>) dst(%arg9 : memref<128x128xf32, #tpu.memory_space<vmem>>)
      tpu.yield
    }) : () -> ()
    %mul3A_62 = arith.constant 10240 : i32
    %mul3A_63 = arith.muli %arg0, %mul3A_62 : i32
    %add3A_64 = arith.addi %mul3A_63, %add3A_61 : i32
    "tpu.region"() ({
      %run_scoped3A = tpu.sem_alloc : memref<!tpu.dma_semaphore, #tpu.memory_space<semaphore_mem>>
      %dma_start3A = arith.constant 0 : i32
      %dma_start3A_72 = tpu.memref_slice %arg5[%add3A_64, %dma_start3A] : memref<20480x128xf32, #tpu.memory_space<hbm>> -> memref<128x128xf32, #tpu.memory_space<hbm>>
      %dma_start3A_73 = arith.constant 0 : i32
      %dma_start3A_74 = tpu.memref_slice %arg5[%add3A_64, %dma_start3A_73] : memref<20480x128xf32, #tpu.memory_space<hbm>> -> memref<128x128xf32, #tpu.memory_space<hbm>>
      tpu.enqueue_dma source(%arg9 : memref<128x128xf32, #tpu.memory_space<vmem>>) target(%dma_start3A_74 : memref<128x128xf32, #tpu.memory_space<hbm>>) target_semaphore(%run_scoped3A : memref<!tpu.dma_semaphore, #tpu.memory_space<semaphore_mem>>)
      %dma_wait3A = arith.constant 0 : i32
      %dma_wait3A_75 = tpu.memref_slice %arg5[%add3A_64, %dma_wait3A] : memref<20480x128xf32, #tpu.memory_space<hbm>> -> memref<128x128xf32, #tpu.memory_space<hbm>>
      %dma_wait3A_76 = arith.constant 0 : i32
      %dma_wait3A_77 = tpu.memref_slice %arg5[%add3A_64, %dma_wait3A_76] : memref<20480x128xf32, #tpu.memory_space<hbm>> -> memref<128x128xf32, #tpu.memory_space<hbm>>
      tpu.wait_dma2 semaphore(%run_scoped3A : memref<!tpu.dma_semaphore, #tpu.memory_space<semaphore_mem>>) src(%arg9 : memref<128x128xf32, #tpu.memory_space<vmem>>) dst(%dma_wait3A_77 : memref<128x128xf32, #tpu.memory_space<hbm>>)
      tpu.yield
    }) : () -> ()
    %mul3A_65 = arith.constant 640 : i32
    %mul3A_66 = arith.muli %arg1, %mul3A_65 : i32
    %add3A_67 = arith.constant 512 : i32
    %add3A_68 = arith.addi %mul3A_66, %add3A_67 : i32
    "tpu.region"() ({
      %run_scoped3A = tpu.sem_alloc : memref<!tpu.dma_semaphore, #tpu.memory_space<semaphore_mem>>
      %dma_start3A = arith.constant 0 : i32
      %dma_start3A_72 = tpu.memref_slice %arg6[%add3A_68, %dma_start3A] : memref<10240x128xf32, #tpu.memory_space<vmem_shared>> -> memref<128x128xf32, #tpu.memory_space<vmem_shared>>
      %dma_start3A_73 = arith.constant 0 : i32
      %dma_start3A_74 = tpu.memref_slice %arg6[%add3A_68, %dma_start3A_73] : memref<10240x128xf32, #tpu.memory_space<vmem_shared>> -> memref<128x128xf32, #tpu.memory_space<vmem_shared>>
      tpu.enqueue_dma source(%dma_start3A_74 : memref<128x128xf32, #tpu.memory_space<vmem_shared>>) target(%arg9 : memref<128x128xf32, #tpu.memory_space<vmem>>) target_semaphore(%run_scoped3A : memref<!tpu.dma_semaphore, #tpu.memory_space<semaphore_mem>>)
      %dma_wait3A = arith.constant 0 : i32
      %dma_wait3A_75 = tpu.memref_slice %arg6[%add3A_68, %dma_wait3A] : memref<10240x128xf32, #tpu.memory_space<vmem_shared>> -> memref<128x128xf32, #tpu.memory_space<vmem_shared>>
      %dma_wait3A_76 = arith.constant 0 : i32
      %dma_wait3A_77 = tpu.memref_slice %arg6[%add3A_68, %dma_wait3A_76] : memref<10240x128xf32, #tpu.memory_space<vmem_shared>> -> memref<128x128xf32, #tpu.memory_space<vmem_shared>>
      tpu.wait_dma2 semaphore(%run_scoped3A : memref<!tpu.dma_semaphore, #tpu.memory_space<semaphore_mem>>) src(%dma_wait3A_77 : memref<128x128xf32, #tpu.memory_space<vmem_shared>>) dst(%arg9 : memref<128x128xf32, #tpu.memory_space<vmem>>)
      tpu.yield
    }) : () -> ()
    %mul3A_69 = arith.constant 10240 : i32
    %mul3A_70 = arith.muli %arg0, %mul3A_69 : i32
    %add3A_71 = arith.addi %mul3A_70, %add3A_68 : i32
    "tpu.region"() ({
      %run_scoped3A = tpu.sem_alloc : memref<!tpu.dma_semaphore, #tpu.memory_space<semaphore_mem>>
      %dma_start3A = arith.constant 0 : i32
      %dma_start3A_72 = tpu.memref_slice %arg5[%add3A_71, %dma_start3A] : memref<20480x128xf32, #tpu.memory_space<hbm>> -> memref<128x128xf32, #tpu.memory_space<hbm>>
      %dma_start3A_73 = arith.constant 0 : i32
      %dma_start3A_74 = tpu.memref_slice %arg5[%add3A_71, %dma_start3A_73] : memref<20480x128xf32, #tpu.memory_space<hbm>> -> memref<128x128xf32, #tpu.memory_space<hbm>>
      tpu.enqueue_dma source(%arg9 : memref<128x128xf32, #tpu.memory_space<vmem>>) target(%dma_start3A_74 : memref<128x128xf32, #tpu.memory_space<hbm>>) target_semaphore(%run_scoped3A : memref<!tpu.dma_semaphore, #tpu.memory_space<semaphore_mem>>)
      %dma_wait3A = arith.constant 0 : i32
      %dma_wait3A_75 = tpu.memref_slice %arg5[%add3A_71, %dma_wait3A] : memref<20480x128xf32, #tpu.memory_space<hbm>> -> memref<128x128xf32, #tpu.memory_space<hbm>>
      %dma_wait3A_76 = arith.constant 0 : i32
      %dma_wait3A_77 = tpu.memref_slice %arg5[%add3A_71, %dma_wait3A_76] : memref<20480x128xf32, #tpu.memory_space<hbm>> -> memref<128x128xf32, #tpu.memory_space<hbm>>
      tpu.wait_dma2 semaphore(%run_scoped3A : memref<!tpu.dma_semaphore, #tpu.memory_space<semaphore_mem>>) src(%arg9 : memref<128x128xf32, #tpu.memory_space<vmem>>) dst(%dma_wait3A_77 : memref<128x128xf32, #tpu.memory_space<hbm>>)
      tpu.yield
    }) : () -> ()
    return
  }
}

#map = affine_map<(d0, d1) -> (0, 0)>
#map1 = affine_map<(d0, d1) -> (0)>
module attributes {stable_mosaic.version = 14 : i64} {
  func.func @msg_kernel(%arg0: i32, %arg1: i32, %arg2: memref<10240x128xf32, #tpu.memory_space<hbm>>, %arg3: memref<331776xi32, #tpu.memory_space<hbm>>, %arg4: memref<331776xi32, #tpu.memory_space<hbm>>, %arg5: memref<20480x128xf32, #tpu.memory_space<hbm>>, %arg6: memref<10240x128xf32, #tpu.memory_space<vmem_shared>>, %arg7: memref<128xi32, #tpu.memory_space<vmem>>, %arg8: memref<128xi32, #tpu.memory_space<vmem>>, %arg9: memref<128x128xf32, #tpu.memory_space<vmem>>, %arg10: memref<!tpu.dma_semaphore, #tpu.memory_space<semaphore_mem>>) attributes {dimension_semantics = [#tpu.dimension_semantics<core_parallel>, #tpu.dimension_semantics<subcore_parallel>], iteration_bounds = array<i64: 2, 16>, scalar_prefetch = 0 : i64, scratch_operands = 5 : i64, tpu.core_type = #tpu.core_type<sc_vector_subcore>, window_params = [{transform_indices = #map}, {transform_indices = #map1}, {transform_indices = #map1}, {transform_indices = #map}]} {
    %mul3A = arith.constant 2 : i32
    %mul3A_0 = arith.muli %arg1, %mul3A : i32
    %add3A = arith.addi %mul3A_0, %arg0 : i32
    %scan3A = arith.constant 0 : i32
    %scan3A_1 = arith.constant 0 : i32
    %scan3A_2 = arith.constant 1024 : i32
    %scan3A_3 = arith.addi %scan3A_1, %scan3A_2 : i32
    %scan3A_4 = arith.constant 1 : i32
    %scan3A_5 = scf.for %scan3A_72 = %scan3A_1 to %scan3A_3 step %scan3A_4 iter_args(%scan3A_73 = %scan3A) -> (i32)  : i32 {
      %broadcast_in_dim3A = arith.constant 0.000000e+00 : f32
      %broadcast_in_dim3A_74 = vector.broadcast %broadcast_in_dim3A : f32 to vector<16xf32>
      %jit3A = arith.constant 8 : i32
      %div3A = arith.divsi %scan3A_72, %jit3A : i32
      %sign3A = arith.constant 0 : i32
      %sign3A_75 = arith.cmpi sgt, %scan3A_72, %sign3A : i32
      %sign3A_76 = arith.extui %sign3A_75 : i1 to i32
      %sign3A_77 = arith.constant 0 : i32
      %sign3A_78 = arith.cmpi slt, %scan3A_72, %sign3A_77 : i32
      %sign3A_79 = arith.extui %sign3A_78 : i1 to i32
      %sign3A_80 = arith.subi %sign3A_76, %sign3A_79 : i32
      %sign3A_81 = arith.constant 0 : i32
      %sign3A_82 = arith.cmpi sgt, %jit3A, %sign3A_81 : i32
      %sign3A_83 = arith.extui %sign3A_82 : i1 to i32
      %sign3A_84 = arith.constant 0 : i32
      %sign3A_85 = arith.cmpi slt, %jit3A, %sign3A_84 : i32
      %sign3A_86 = arith.extui %sign3A_85 : i1 to i32
      %sign3A_87 = arith.subi %sign3A_83, %sign3A_86 : i32
      %ne3A = arith.cmpi ne, %sign3A_80, %sign3A_87 : i32
      %rem3A = arith.remsi %scan3A_72, %jit3A : i32
      %ne3A_88 = arith.constant 0 : i32
      %ne3A_89 = arith.cmpi ne, %rem3A, %ne3A_88 : i32
      %and3A = arith.andi %ne3A, %ne3A_89 : i1
      %sub3A = arith.constant 1 : i32
      %sub3A_90 = arith.subi %div3A, %sub3A : i32
      %select_n3A = arith.select %and3A, %sub3A_90, %div3A : i32
      %jit3A_91 = arith.constant 8 : i32
      %eq3A = arith.constant 0 : i32
      %eq3A_92 = arith.cmpi eq, %jit3A_91, %eq3A : i32
      %jit3A_93 = arith.constant 1 : i32
      %select_n3A_94 = arith.select %eq3A_92, %jit3A_93, %jit3A_91 : i32
      %rem3A_95 = arith.remsi %scan3A_72, %select_n3A_94 : i32
      %ne3A_96 = arith.constant 0 : i32
      %ne3A_97 = arith.cmpi ne, %rem3A_95, %ne3A_96 : i32
      %lt3A = arith.constant 0 : i32
      %lt3A_98 = arith.cmpi slt, %rem3A_95, %lt3A : i32
      %lt3A_99 = arith.constant 0 : i32
      %lt3A_100 = arith.cmpi slt, %select_n3A_94, %lt3A_99 : i32
      %ne3A_101 = arith.xori %lt3A_98, %lt3A_100 : i1
      %and3A_102 = arith.andi %ne3A_101, %ne3A_97 : i1
      %add3A_103 = arith.addi %rem3A_95, %select_n3A_94 : i32
      %select_n3A_104 = arith.select %and3A_102, %add3A_103, %rem3A_95 : i32
      %mul3A_105 = arith.constant 16 : i32
      %mul3A_106 = arith.muli %select_n3A_104, %mul3A_105 : i32
      %swap3A = arith.index_cast %select_n3A : i32 to index
      %swap3A_107 = arith.index_cast %mul3A_106 : i32 to index
      %swap3A_108 = tpu.vector_load %arg9[%swap3A, %swap3A_107] {strides = array<i32>} : memref<128x128xf32, #tpu.memory_space<vmem>>, vector<1x16xf32>,
      %swap3A_109 = vector.shape_cast %swap3A_108 : vector<1x16xf32> to vector<16xf32>
      %swap3A_110 = vector.shape_cast %broadcast_in_dim3A_74 : vector<16xf32> to vector<1x16xf32>
      tpu.vector_store %arg9[%swap3A, %swap3A_107], %swap3A_110 {strides = array<i32>} : memref<128x128xf32, #tpu.memory_space<vmem>>, vector<1x16xf32>,
      %scan3A_111 = arith.constant 0 : i32
      scf.yield %scan3A_111 : i32
    }
    %scan3A_6 = arith.constant 1024 : i32
    %mul3A_7 = arith.constant 640 : i32
    %mul3A_8 = arith.muli %arg1, %mul3A_7 : i32
    %add3A_9 = arith.constant 0 : i32
    %add3A_10 = arith.addi %mul3A_8, %add3A_9 : i32
    "tpu.region"() ({
      %run_scoped3A = tpu.sem_alloc : memref<!tpu.dma_semaphore, #tpu.memory_space<semaphore_mem>>
      %dma_start3A = arith.constant 0 : i32
      %dma_start3A_72 = tpu.memref_slice %arg6[%add3A_10, %dma_start3A] : memref<10240x128xf32, #tpu.memory_space<vmem_shared>> -> memref<128x128xf32, #tpu.memory_space<vmem_shared>>
      %dma_start3A_73 = arith.constant 0 : i32
      %dma_start3A_74 = tpu.memref_slice %arg6[%add3A_10, %dma_start3A_73] : memref<10240x128xf32, #tpu.memory_space<vmem_shared>> -> memref<128x128xf32, #tpu.memory_space<vmem_shared>>
      tpu.enqueue_dma source(%arg9 : memref<128x128xf32, #tpu.memory_space<vmem>>) target(%dma_start3A_74 : memref<128x128xf32, #tpu.memory_space<vmem_shared>>) target_semaphore(%run_scoped3A : memref<!tpu.dma_semaphore, #tpu.memory_space<semaphore_mem>>)
      %dma_wait3A = arith.constant 0 : i32
      %dma_wait3A_75 = tpu.memref_slice %arg6[%add3A_10, %dma_wait3A] : memref<10240x128xf32, #tpu.memory_space<vmem_shared>> -> memref<128x128xf32, #tpu.memory_space<vmem_shared>>
      %dma_wait3A_76 = arith.constant 0 : i32
      %dma_wait3A_77 = tpu.memref_slice %arg6[%add3A_10, %dma_wait3A_76] : memref<10240x128xf32, #tpu.memory_space<vmem_shared>> -> memref<128x128xf32, #tpu.memory_space<vmem_shared>>
      tpu.wait_dma2 semaphore(%run_scoped3A : memref<!tpu.dma_semaphore, #tpu.memory_space<semaphore_mem>>) src(%arg9 : memref<128x128xf32, #tpu.memory_space<vmem>>) dst(%dma_wait3A_77 : memref<128x128xf32, #tpu.memory_space<vmem_shared>>)
      tpu.yield
    }) : () -> ()
    %mul3A_11 = arith.constant 640 : i32
    %mul3A_12 = arith.muli %arg1, %mul3A_11 : i32
    %add3A_13 = arith.constant 128 : i32
    %add3A_14 = arith.addi %mul3A_12, %add3A_13 : i32
    "tpu.region"() ({
      %run_scoped3A = tpu.sem_alloc : memref<!tpu.dma_semaphore, #tpu.memory_space<semaphore_mem>>
      %dma_start3A = arith.constant 0 : i32
      %dma_start3A_72 = tpu.memref_slice %arg6[%add3A_14, %dma_start3A] : memref<10240x128xf32, #tpu.memory_space<vmem_shared>> -> memref<128x128xf32, #tpu.memory_space<vmem_shared>>
      %dma_start3A_73 = arith.constant 0 : i32
      %dma_start3A_74 = tpu.memref_slice %arg6[%add3A_14, %dma_start3A_73] : memref<10240x128xf32, #tpu.memory_space<vmem_shared>> -> memref<128x128xf32, #tpu.memory_space<vmem_shared>>
      tpu.enqueue_dma source(%arg9 : memref<128x128xf32, #tpu.memory_space<vmem>>) target(%dma_start3A_74 : memref<128x128xf32, #tpu.memory_space<vmem_shared>>) target_semaphore(%run_scoped3A : memref<!tpu.dma_semaphore, #tpu.memory_space<semaphore_mem>>)
      %dma_wait3A = arith.constant 0 : i32
      %dma_wait3A_75 = tpu.memref_slice %arg6[%add3A_14, %dma_wait3A] : memref<10240x128xf32, #tpu.memory_space<vmem_shared>> -> memref<128x128xf32, #tpu.memory_space<vmem_shared>>
      %dma_wait3A_76 = arith.constant 0 : i32
      %dma_wait3A_77 = tpu.memref_slice %arg6[%add3A_14, %dma_wait3A_76] : memref<10240x128xf32, #tpu.memory_space<vmem_shared>> -> memref<128x128xf32, #tpu.memory_space<vmem_shared>>
      tpu.wait_dma2 semaphore(%run_scoped3A : memref<!tpu.dma_semaphore, #tpu.memory_space<semaphore_mem>>) src(%arg9 : memref<128x128xf32, #tpu.memory_space<vmem>>) dst(%dma_wait3A_77 : memref<128x128xf32, #tpu.memory_space<vmem_shared>>)
      tpu.yield
    }) : () -> ()
    %mul3A_15 = arith.constant 640 : i32
    %mul3A_16 = arith.muli %arg1, %mul3A_15 : i32
    %add3A_17 = arith.constant 256 : i32
    %add3A_18 = arith.addi %mul3A_16, %add3A_17 : i32
    "tpu.region"() ({
      %run_scoped3A = tpu.sem_alloc : memref<!tpu.dma_semaphore, #tpu.memory_space<semaphore_mem>>
      %dma_start3A = arith.constant 0 : i32
      %dma_start3A_72 = tpu.memref_slice %arg6[%add3A_18, %dma_start3A] : memref<10240x128xf32, #tpu.memory_space<vmem_shared>> -> memref<128x128xf32, #tpu.memory_space<vmem_shared>>
      %dma_start3A_73 = arith.constant 0 : i32
      %dma_start3A_74 = tpu.memref_slice %arg6[%add3A_18, %dma_start3A_73] : memref<10240x128xf32, #tpu.memory_space<vmem_shared>> -> memref<128x128xf32, #tpu.memory_space<vmem_shared>>
      tpu.enqueue_dma source(%arg9 : memref<128x128xf32, #tpu.memory_space<vmem>>) target(%dma_start3A_74 : memref<128x128xf32, #tpu.memory_space<vmem_shared>>) target_semaphore(%run_scoped3A : memref<!tpu.dma_semaphore, #tpu.memory_space<semaphore_mem>>)
      %dma_wait3A = arith.constant 0 : i32
      %dma_wait3A_75 = tpu.memref_slice %arg6[%add3A_18, %dma_wait3A] : memref<10240x128xf32, #tpu.memory_space<vmem_shared>> -> memref<128x128xf32, #tpu.memory_space<vmem_shared>>
      %dma_wait3A_76 = arith.constant 0 : i32
      %dma_wait3A_77 = tpu.memref_slice %arg6[%add3A_18, %dma_wait3A_76] : memref<10240x128xf32, #tpu.memory_space<vmem_shared>> -> memref<128x128xf32, #tpu.memory_space<vmem_shared>>
      tpu.wait_dma2 semaphore(%run_scoped3A : memref<!tpu.dma_semaphore, #tpu.memory_space<semaphore_mem>>) src(%arg9 : memref<128x128xf32, #tpu.memory_space<vmem>>) dst(%dma_wait3A_77 : memref<128x128xf32, #tpu.memory_space<vmem_shared>>)
      tpu.yield
    }) : () -> ()
    %mul3A_19 = arith.constant 640 : i32
    %mul3A_20 = arith.muli %arg1, %mul3A_19 : i32
    %add3A_21 = arith.constant 384 : i32
    %add3A_22 = arith.addi %mul3A_20, %add3A_21 : i32
    "tpu.region"() ({
      %run_scoped3A = tpu.sem_alloc : memref<!tpu.dma_semaphore, #tpu.memory_space<semaphore_mem>>
      %dma_start3A = arith.constant 0 : i32
      %dma_start3A_72 = tpu.memref_slice %arg6[%add3A_22, %dma_start3A] : memref<10240x128xf32, #tpu.memory_space<vmem_shared>> -> memref<128x128xf32, #tpu.memory_space<vmem_shared>>
      %dma_start3A_73 = arith.constant 0 : i32
      %dma_start3A_74 = tpu.memref_slice %arg6[%add3A_22, %dma_start3A_73] : memref<10240x128xf32, #tpu.memory_space<vmem_shared>> -> memref<128x128xf32, #tpu.memory_space<vmem_shared>>
      tpu.enqueue_dma source(%arg9 : memref<128x128xf32, #tpu.memory_space<vmem>>) target(%dma_start3A_74 : memref<128x128xf32, #tpu.memory_space<vmem_shared>>) target_semaphore(%run_scoped3A : memref<!tpu.dma_semaphore, #tpu.memory_space<semaphore_mem>>)
      %dma_wait3A = arith.constant 0 : i32
      %dma_wait3A_75 = tpu.memref_slice %arg6[%add3A_22, %dma_wait3A] : memref<10240x128xf32, #tpu.memory_space<vmem_shared>> -> memref<128x128xf32, #tpu.memory_space<vmem_shared>>
      %dma_wait3A_76 = arith.constant 0 : i32
      %dma_wait3A_77 = tpu.memref_slice %arg6[%add3A_22, %dma_wait3A_76] : memref<10240x128xf32, #tpu.memory_space<vmem_shared>> -> memref<128x128xf32, #tpu.memory_space<vmem_shared>>
      tpu.wait_dma2 semaphore(%run_scoped3A : memref<!tpu.dma_semaphore, #tpu.memory_space<semaphore_mem>>) src(%arg9 : memref<128x128xf32, #tpu.memory_space<vmem>>) dst(%dma_wait3A_77 : memref<128x128xf32, #tpu.memory_space<vmem_shared>>)
      tpu.yield
    }) : () -> ()
    %mul3A_23 = arith.constant 640 : i32
    %mul3A_24 = arith.muli %arg1, %mul3A_23 : i32
    %add3A_25 = arith.constant 512 : i32
    %add3A_26 = arith.addi %mul3A_24, %add3A_25 : i32
    "tpu.region"() ({
      %run_scoped3A = tpu.sem_alloc : memref<!tpu.dma_semaphore, #tpu.memory_space<semaphore_mem>>
      %dma_start3A = arith.constant 0 : i32
      %dma_start3A_72 = tpu.memref_slice %arg6[%add3A_26, %dma_start3A] : memref<10240x128xf32, #tpu.memory_space<vmem_shared>> -> memref<128x128xf32, #tpu.memory_space<vmem_shared>>
      %dma_start3A_73 = arith.constant 0 : i32
      %dma_start3A_74 = tpu.memref_slice %arg6[%add3A_26, %dma_start3A_73] : memref<10240x128xf32, #tpu.memory_space<vmem_shared>> -> memref<128x128xf32, #tpu.memory_space<vmem_shared>>
      tpu.enqueue_dma source(%arg9 : memref<128x128xf32, #tpu.memory_space<vmem>>) target(%dma_start3A_74 : memref<128x128xf32, #tpu.memory_space<vmem_shared>>) target_semaphore(%run_scoped3A : memref<!tpu.dma_semaphore, #tpu.memory_space<semaphore_mem>>)
      %dma_wait3A = arith.constant 0 : i32
      %dma_wait3A_75 = tpu.memref_slice %arg6[%add3A_26, %dma_wait3A] : memref<10240x128xf32, #tpu.memory_space<vmem_shared>> -> memref<128x128xf32, #tpu.memory_space<vmem_shared>>
      %dma_wait3A_76 = arith.constant 0 : i32
      %dma_wait3A_77 = tpu.memref_slice %arg6[%add3A_26, %dma_wait3A_76] : memref<10240x128xf32, #tpu.memory_space<vmem_shared>> -> memref<128x128xf32, #tpu.memory_space<vmem_shared>>
      tpu.wait_dma2 semaphore(%run_scoped3A : memref<!tpu.dma_semaphore, #tpu.memory_space<semaphore_mem>>) src(%arg9 : memref<128x128xf32, #tpu.memory_space<vmem>>) dst(%dma_wait3A_77 : memref<128x128xf32, #tpu.memory_space<vmem_shared>>)
      tpu.yield
    }) : () -> ()
    %barrier3A = arith.constant 0 : index
    tpu.barrier barrier_id(%barrier3A)
    %mul3A_27 = arith.constant 10368 : i32
    %mul3A_28 = arith.muli %add3A, %mul3A_27 : i32
    %scan3A_29 = arith.constant 0 : i32
    %scan3A_30 = arith.constant 0 : i32
    %scan3A_31 = arith.constant 81 : i32
    %scan3A_32 = arith.addi %scan3A_30, %scan3A_31 : i32
    %scan3A_33 = arith.constant 1 : i32
    %scan3A_34 = scf.for %scan3A_72 = %scan3A_30 to %scan3A_32 step %scan3A_33 iter_args(%scan3A_73 = %scan3A_29) -> (i32)  : i32 {
      %mul3A_74 = arith.constant 128 : i32
      %mul3A_75 = arith.muli %scan3A_72, %mul3A_74 : i32
      %add3A_76 = arith.addi %mul3A_28, %mul3A_75 : i32
      "tpu.region"() ({
        %run_scoped3A = tpu.sem_alloc : memref<!tpu.dma_semaphore, #tpu.memory_space<semaphore_mem>>
        %dma_start3A_82 = tpu.memref_slice %arg3[%add3A_76] : memref<331776xi32, #tpu.memory_space<hbm>> -> memref<128xi32, #tpu.memory_space<hbm>>
        %dma_start3A_83 = tpu.memref_slice %arg3[%add3A_76] : memref<331776xi32, #tpu.memory_space<hbm>> -> memref<128xi32, #tpu.memory_space<hbm>>
        tpu.enqueue_dma source(%dma_start3A_83 : memref<128xi32, #tpu.memory_space<hbm>>) target(%arg7 : memref<128xi32, #tpu.memory_space<vmem>>) target_semaphore(%run_scoped3A : memref<!tpu.dma_semaphore, #tpu.memory_space<semaphore_mem>>)
        %dma_wait3A_84 = tpu.memref_slice %arg3[%add3A_76] : memref<331776xi32, #tpu.memory_space<hbm>> -> memref<128xi32, #tpu.memory_space<hbm>>
        %dma_wait3A_85 = tpu.memref_slice %arg3[%add3A_76] : memref<331776xi32, #tpu.memory_space<hbm>> -> memref<128xi32, #tpu.memory_space<hbm>>
        tpu.wait_dma2 semaphore(%run_scoped3A : memref<!tpu.dma_semaphore, #tpu.memory_space<semaphore_mem>>) src(%dma_wait3A_85 : memref<128xi32, #tpu.memory_space<hbm>>) dst(%arg7 : memref<128xi32, #tpu.memory_space<vmem>>)
        tpu.yield
      }) : () -> ()
      "tpu.region"() ({
        %run_scoped3A = tpu.sem_alloc : memref<!tpu.dma_semaphore, #tpu.memory_space<semaphore_mem>>
        %dma_start3A_82 = tpu.memref_slice %arg4[%add3A_76] : memref<331776xi32, #tpu.memory_space<hbm>> -> memref<128xi32, #tpu.memory_space<hbm>>
        %dma_start3A_83 = tpu.memref_slice %arg4[%add3A_76] : memref<331776xi32, #tpu.memory_space<hbm>> -> memref<128xi32, #tpu.memory_space<hbm>>
        tpu.enqueue_dma source(%dma_start3A_83 : memref<128xi32, #tpu.memory_space<hbm>>) target(%arg8 : memref<128xi32, #tpu.memory_space<vmem>>) target_semaphore(%run_scoped3A : memref<!tpu.dma_semaphore, #tpu.memory_space<semaphore_mem>>)
        %dma_wait3A_84 = tpu.memref_slice %arg4[%add3A_76] : memref<331776xi32, #tpu.memory_space<hbm>> -> memref<128xi32, #tpu.memory_space<hbm>>
        %dma_wait3A_85 = tpu.memref_slice %arg4[%add3A_76] : memref<331776xi32, #tpu.memory_space<hbm>> -> memref<128xi32, #tpu.memory_space<hbm>>
        tpu.wait_dma2 semaphore(%run_scoped3A : memref<!tpu.dma_semaphore, #tpu.memory_space<semaphore_mem>>) src(%dma_wait3A_85 : memref<128xi32, #tpu.memory_space<hbm>>) dst(%arg8 : memref<128xi32, #tpu.memory_space<vmem>>)
        tpu.yield
      }) : () -> ()
      %dma_start3A = arith.constant 0 : i32
      %dma_start3A_77 = arith.constant 0 : i32
      %dma_start3A_78 = tpu.memref_slice %arg2[%dma_start3A, %dma_start3A_77] : memref<10240x128xf32, #tpu.memory_space<hbm>> -> memref<10240x128xf32, #tpu.memory_space<hbm>>
      tpu.enqueue_indirect_dma source(%dma_start3A_78 : memref<10240x128xf32, #tpu.memory_space<hbm>>) target(%arg9 : memref<128x128xf32, #tpu.memory_space<vmem>>) offsets(%arg7 : memref<128xi32, #tpu.memory_space<vmem>>) semaphore(%arg10 : memref<!tpu.dma_semaphore, #tpu.memory_space<semaphore_mem>>)
      %dma_wait3A = arith.constant 0 : i32
      %dma_wait3A_79 = arith.constant 0 : i32
      %dma_wait3A_80 = tpu.memref_slice %arg2[%dma_wait3A, %dma_wait3A_79] : memref<10240x128xf32, #tpu.memory_space<hbm>> -> memref<10240x128xf32, #tpu.memory_space<hbm>>
      tpu.wait_indirect_dma semaphore(%arg10 : memref<!tpu.dma_semaphore, #tpu.memory_space<semaphore_mem>>) src(%dma_wait3A_80 : memref<10240x128xf32, #tpu.memory_space<hbm>>) dst(%arg9 : memref<128x128xf32, #tpu.memory_space<vmem>>)
      "tpu.region"() ({
        %run_scoped3A = tpu.sem_alloc : memref<!tpu.dma_semaphore, #tpu.memory_space<semaphore_mem>>
        %dma_start3A_82 = arith.constant 0 : i32
        %dma_start3A_83 = arith.constant 0 : i32
        %dma_start3A_84 = tpu.memref_slice %arg6[%dma_start3A_82, %dma_start3A_83] : memref<10240x128xf32, #tpu.memory_space<vmem_shared>> -> memref<10240x128xf32, #tpu.memory_space<vmem_shared>>
        tpu.enqueue_indirect_dma source(%arg9 : memref<128x128xf32, #tpu.memory_space<vmem>>) target(%dma_start3A_84 : memref<10240x128xf32, #tpu.memory_space<vmem_shared>>) offsets(%arg8 : memref<128xi32, #tpu.memory_space<vmem>>) semaphore(%run_scoped3A : memref<!tpu.dma_semaphore, #tpu.memory_space<semaphore_mem>>) {add = true}
        %dma_wait3A_85 = arith.constant 0 : i32
        %dma_wait3A_86 = arith.constant 0 : i32
        %dma_wait3A_87 = tpu.memref_slice %arg6[%dma_wait3A_85, %dma_wait3A_86] : memref<10240x128xf32, #tpu.memory_space<vmem_shared>> -> memref<10240x128xf32, #tpu.memory_space<vmem_shared>>
        tpu.wait_indirect_dma semaphore(%run_scoped3A : memref<!tpu.dma_semaphore, #tpu.memory_space<semaphore_mem>>) src(%arg9 : memref<128x128xf32, #tpu.memory_space<vmem>>) dst(%dma_wait3A_87 : memref<10240x128xf32, #tpu.memory_space<vmem_shared>>)
        tpu.yield
      }) : () -> ()
      %scan3A_81 = arith.constant 0 : i32
      scf.yield %scan3A_81 : i32
    }
    %scan3A_35 = arith.constant 81 : i32
    %barrier3A_36 = arith.constant 0 : index
    tpu.barrier barrier_id(%barrier3A_36)
    %mul3A_37 = arith.constant 640 : i32
    %mul3A_38 = arith.muli %arg1, %mul3A_37 : i32
    %add3A_39 = arith.constant 0 : i32
    %add3A_40 = arith.addi %mul3A_38, %add3A_39 : i32
    "tpu.region"() ({
      %run_scoped3A = tpu.sem_alloc : memref<!tpu.dma_semaphore, #tpu.memory_space<semaphore_mem>>
      %dma_start3A = arith.constant 0 : i32
      %dma_start3A_72 = tpu.memref_slice %arg6[%add3A_40, %dma_start3A] : memref<10240x128xf32, #tpu.memory_space<vmem_shared>> -> memref<128x128xf32, #tpu.memory_space<vmem_shared>>
      %dma_start3A_73 = arith.constant 0 : i32
      %dma_start3A_74 = tpu.memref_slice %arg6[%add3A_40, %dma_start3A_73] : memref<10240x128xf32, #tpu.memory_space<vmem_shared>> -> memref<128x128xf32, #tpu.memory_space<vmem_shared>>
      tpu.enqueue_dma source(%dma_start3A_74 : memref<128x128xf32, #tpu.memory_space<vmem_shared>>) target(%arg9 : memref<128x128xf32, #tpu.memory_space<vmem>>) target_semaphore(%run_scoped3A : memref<!tpu.dma_semaphore, #tpu.memory_space<semaphore_mem>>)
      %dma_wait3A = arith.constant 0 : i32
      %dma_wait3A_75 = tpu.memref_slice %arg6[%add3A_40, %dma_wait3A] : memref<10240x128xf32, #tpu.memory_space<vmem_shared>> -> memref<128x128xf32, #tpu.memory_space<vmem_shared>>
      %dma_wait3A_76 = arith.constant 0 : i32
      %dma_wait3A_77 = tpu.memref_slice %arg6[%add3A_40, %dma_wait3A_76] : memref<10240x128xf32, #tpu.memory_space<vmem_shared>> -> memref<128x128xf32, #tpu.memory_space<vmem_shared>>
      tpu.wait_dma2 semaphore(%run_scoped3A : memref<!tpu.dma_semaphore, #tpu.memory_space<semaphore_mem>>) src(%dma_wait3A_77 : memref<128x128xf32, #tpu.memory_space<vmem_shared>>) dst(%arg9 : memref<128x128xf32, #tpu.memory_space<vmem>>)
      tpu.yield
    }) : () -> ()
    %mul3A_41 = arith.constant 10240 : i32
    %mul3A_42 = arith.muli %arg0, %mul3A_41 : i32
    %add3A_43 = arith.addi %mul3A_42, %add3A_40 : i32
    "tpu.region"() ({
      %run_scoped3A = tpu.sem_alloc : memref<!tpu.dma_semaphore, #tpu.memory_space<semaphore_mem>>
      %dma_start3A = arith.constant 0 : i32
      %dma_start3A_72 = tpu.memref_slice %arg5[%add3A_43, %dma_start3A] : memref<20480x128xf32, #tpu.memory_space<hbm>> -> memref<128x128xf32, #tpu.memory_space<hbm>>
      %dma_start3A_73 = arith.constant 0 : i32
      %dma_start3A_74 = tpu.memref_slice %arg5[%add3A_43, %dma_start3A_73] : memref<20480x128xf32, #tpu.memory_space<hbm>> -> memref<128x128xf32, #tpu.memory_space<hbm>>
      tpu.enqueue_dma source(%arg9 : memref<128x128xf32, #tpu.memory_space<vmem>>) target(%dma_start3A_74 : memref<128x128xf32, #tpu.memory_space<hbm>>) target_semaphore(%run_scoped3A : memref<!tpu.dma_semaphore, #tpu.memory_space<semaphore_mem>>)
      %dma_wait3A = arith.constant 0 : i32
      %dma_wait3A_75 = tpu.memref_slice %arg5[%add3A_43, %dma_wait3A] : memref<20480x128xf32, #tpu.memory_space<hbm>> -> memref<128x128xf32, #tpu.memory_space<hbm>>
      %dma_wait3A_76 = arith.constant 0 : i32
      %dma_wait3A_77 = tpu.memref_slice %arg5[%add3A_43, %dma_wait3A_76] : memref<20480x128xf32, #tpu.memory_space<hbm>> -> memref<128x128xf32, #tpu.memory_space<hbm>>
      tpu.wait_dma2 semaphore(%run_scoped3A : memref<!tpu.dma_semaphore, #tpu.memory_space<semaphore_mem>>) src(%arg9 : memref<128x128xf32, #tpu.memory_space<vmem>>) dst(%dma_wait3A_77 : memref<128x128xf32, #tpu.memory_space<hbm>>)
      tpu.yield
    }) : () -> ()
    %mul3A_44 = arith.constant 640 : i32
    %mul3A_45 = arith.muli %arg1, %mul3A_44 : i32
    %add3A_46 = arith.constant 128 : i32
    %add3A_47 = arith.addi %mul3A_45, %add3A_46 : i32
    "tpu.region"() ({
      %run_scoped3A = tpu.sem_alloc : memref<!tpu.dma_semaphore, #tpu.memory_space<semaphore_mem>>
      %dma_start3A = arith.constant 0 : i32
      %dma_start3A_72 = tpu.memref_slice %arg6[%add3A_47, %dma_start3A] : memref<10240x128xf32, #tpu.memory_space<vmem_shared>> -> memref<128x128xf32, #tpu.memory_space<vmem_shared>>
      %dma_start3A_73 = arith.constant 0 : i32
      %dma_start3A_74 = tpu.memref_slice %arg6[%add3A_47, %dma_start3A_73] : memref<10240x128xf32, #tpu.memory_space<vmem_shared>> -> memref<128x128xf32, #tpu.memory_space<vmem_shared>>
      tpu.enqueue_dma source(%dma_start3A_74 : memref<128x128xf32, #tpu.memory_space<vmem_shared>>) target(%arg9 : memref<128x128xf32, #tpu.memory_space<vmem>>) target_semaphore(%run_scoped3A : memref<!tpu.dma_semaphore, #tpu.memory_space<semaphore_mem>>)
      %dma_wait3A = arith.constant 0 : i32
      %dma_wait3A_75 = tpu.memref_slice %arg6[%add3A_47, %dma_wait3A] : memref<10240x128xf32, #tpu.memory_space<vmem_shared>> -> memref<128x128xf32, #tpu.memory_space<vmem_shared>>
      %dma_wait3A_76 = arith.constant 0 : i32
      %dma_wait3A_77 = tpu.memref_slice %arg6[%add3A_47, %dma_wait3A_76] : memref<10240x128xf32, #tpu.memory_space<vmem_shared>> -> memref<128x128xf32, #tpu.memory_space<vmem_shared>>
      tpu.wait_dma2 semaphore(%run_scoped3A : memref<!tpu.dma_semaphore, #tpu.memory_space<semaphore_mem>>) src(%dma_wait3A_77 : memref<128x128xf32, #tpu.memory_space<vmem_shared>>) dst(%arg9 : memref<128x128xf32, #tpu.memory_space<vmem>>)
      tpu.yield
    }) : () -> ()
    %mul3A_48 = arith.constant 10240 : i32
    %mul3A_49 = arith.muli %arg0, %mul3A_48 : i32
    %add3A_50 = arith.addi %mul3A_49, %add3A_47 : i32
    "tpu.region"() ({
      %run_scoped3A = tpu.sem_alloc : memref<!tpu.dma_semaphore, #tpu.memory_space<semaphore_mem>>
      %dma_start3A = arith.constant 0 : i32
      %dma_start3A_72 = tpu.memref_slice %arg5[%add3A_50, %dma_start3A] : memref<20480x128xf32, #tpu.memory_space<hbm>> -> memref<128x128xf32, #tpu.memory_space<hbm>>
      %dma_start3A_73 = arith.constant 0 : i32
      %dma_start3A_74 = tpu.memref_slice %arg5[%add3A_50, %dma_start3A_73] : memref<20480x128xf32, #tpu.memory_space<hbm>> -> memref<128x128xf32, #tpu.memory_space<hbm>>
      tpu.enqueue_dma source(%arg9 : memref<128x128xf32, #tpu.memory_space<vmem>>) target(%dma_start3A_74 : memref<128x128xf32, #tpu.memory_space<hbm>>) target_semaphore(%run_scoped3A : memref<!tpu.dma_semaphore, #tpu.memory_space<semaphore_mem>>)
      %dma_wait3A = arith.constant 0 : i32
      %dma_wait3A_75 = tpu.memref_slice %arg5[%add3A_50, %dma_wait3A] : memref<20480x128xf32, #tpu.memory_space<hbm>> -> memref<128x128xf32, #tpu.memory_space<hbm>>
      %dma_wait3A_76 = arith.constant 0 : i32
      %dma_wait3A_77 = tpu.memref_slice %arg5[%add3A_50, %dma_wait3A_76] : memref<20480x128xf32, #tpu.memory_space<hbm>> -> memref<128x128xf32, #tpu.memory_space<hbm>>
      tpu.wait_dma2 semaphore(%run_scoped3A : memref<!tpu.dma_semaphore, #tpu.memory_space<semaphore_mem>>) src(%arg9 : memref<128x128xf32, #tpu.memory_space<vmem>>) dst(%dma_wait3A_77 : memref<128x128xf32, #tpu.memory_space<hbm>>)
      tpu.yield
    }) : () -> ()
    %mul3A_51 = arith.constant 640 : i32
    %mul3A_52 = arith.muli %arg1, %mul3A_51 : i32
    %add3A_53 = arith.constant 256 : i32
    %add3A_54 = arith.addi %mul3A_52, %add3A_53 : i32
    "tpu.region"() ({
      %run_scoped3A = tpu.sem_alloc : memref<!tpu.dma_semaphore, #tpu.memory_space<semaphore_mem>>
      %dma_start3A = arith.constant 0 : i32
      %dma_start3A_72 = tpu.memref_slice %arg6[%add3A_54, %dma_start3A] : memref<10240x128xf32, #tpu.memory_space<vmem_shared>> -> memref<128x128xf32, #tpu.memory_space<vmem_shared>>
      %dma_start3A_73 = arith.constant 0 : i32
      %dma_start3A_74 = tpu.memref_slice %arg6[%add3A_54, %dma_start3A_73] : memref<10240x128xf32, #tpu.memory_space<vmem_shared>> -> memref<128x128xf32, #tpu.memory_space<vmem_shared>>
      tpu.enqueue_dma source(%dma_start3A_74 : memref<128x128xf32, #tpu.memory_space<vmem_shared>>) target(%arg9 : memref<128x128xf32, #tpu.memory_space<vmem>>) target_semaphore(%run_scoped3A : memref<!tpu.dma_semaphore, #tpu.memory_space<semaphore_mem>>)
      %dma_wait3A = arith.constant 0 : i32
      %dma_wait3A_75 = tpu.memref_slice %arg6[%add3A_54, %dma_wait3A] : memref<10240x128xf32, #tpu.memory_space<vmem_shared>> -> memref<128x128xf32, #tpu.memory_space<vmem_shared>>
      %dma_wait3A_76 = arith.constant 0 : i32
      %dma_wait3A_77 = tpu.memref_slice %arg6[%add3A_54, %dma_wait3A_76] : memref<10240x128xf32, #tpu.memory_space<vmem_shared>> -> memref<128x128xf32, #tpu.memory_space<vmem_shared>>
      tpu.wait_dma2 semaphore(%run_scoped3A : memref<!tpu.dma_semaphore, #tpu.memory_space<semaphore_mem>>) src(%dma_wait3A_77 : memref<128x128xf32, #tpu.memory_space<vmem_shared>>) dst(%arg9 : memref<128x128xf32, #tpu.memory_space<vmem>>)
      tpu.yield
    }) : () -> ()
    %mul3A_55 = arith.constant 10240 : i32
    %mul3A_56 = arith.muli %arg0, %mul3A_55 : i32
    %add3A_57 = arith.addi %mul3A_56, %add3A_54 : i32
    "tpu.region"() ({
      %run_scoped3A = tpu.sem_alloc : memref<!tpu.dma_semaphore, #tpu.memory_space<semaphore_mem>>
      %dma_start3A = arith.constant 0 : i32
      %dma_start3A_72 = tpu.memref_slice %arg5[%add3A_57, %dma_start3A] : memref<20480x128xf32, #tpu.memory_space<hbm>> -> memref<128x128xf32, #tpu.memory_space<hbm>>
      %dma_start3A_73 = arith.constant 0 : i32
      %dma_start3A_74 = tpu.memref_slice %arg5[%add3A_57, %dma_start3A_73] : memref<20480x128xf32, #tpu.memory_space<hbm>> -> memref<128x128xf32, #tpu.memory_space<hbm>>
      tpu.enqueue_dma source(%arg9 : memref<128x128xf32, #tpu.memory_space<vmem>>) target(%dma_start3A_74 : memref<128x128xf32, #tpu.memory_space<hbm>>) target_semaphore(%run_scoped3A : memref<!tpu.dma_semaphore, #tpu.memory_space<semaphore_mem>>)
      %dma_wait3A = arith.constant 0 : i32
      %dma_wait3A_75 = tpu.memref_slice %arg5[%add3A_57, %dma_wait3A] : memref<20480x128xf32, #tpu.memory_space<hbm>> -> memref<128x128xf32, #tpu.memory_space<hbm>>
      %dma_wait3A_76 = arith.constant 0 : i32
      %dma_wait3A_77 = tpu.memref_slice %arg5[%add3A_57, %dma_wait3A_76] : memref<20480x128xf32, #tpu.memory_space<hbm>> -> memref<128x128xf32, #tpu.memory_space<hbm>>
      tpu.wait_dma2 semaphore(%run_scoped3A : memref<!tpu.dma_semaphore, #tpu.memory_space<semaphore_mem>>) src(%arg9 : memref<128x128xf32, #tpu.memory_space<vmem>>) dst(%dma_wait3A_77 : memref<128x128xf32, #tpu.memory_space<hbm>>)
      tpu.yield
    }) : () -> ()
    %mul3A_58 = arith.constant 640 : i32
    %mul3A_59 = arith.muli %arg1, %mul3A_58 : i32
    %add3A_60 = arith.constant 384 : i32
    %add3A_61 = arith.addi %mul3A_59, %add3A_60 : i32
    "tpu.region"() ({
      %run_scoped3A = tpu.sem_alloc : memref<!tpu.dma_semaphore, #tpu.memory_space<semaphore_mem>>
      %dma_start3A = arith.constant 0 : i32
      %dma_start3A_72 = tpu.memref_slice %arg6[%add3A_61, %dma_start3A] : memref<10240x128xf32, #tpu.memory_space<vmem_shared>> -> memref<128x128xf32, #tpu.memory_space<vmem_shared>>
      %dma_start3A_73 = arith.constant 0 : i32
      %dma_start3A_74 = tpu.memref_slice %arg6[%add3A_61, %dma_start3A_73] : memref<10240x128xf32, #tpu.memory_space<vmem_shared>> -> memref<128x128xf32, #tpu.memory_space<vmem_shared>>
      tpu.enqueue_dma source(%dma_start3A_74 : memref<128x128xf32, #tpu.memory_space<vmem_shared>>) target(%arg9 : memref<128x128xf32, #tpu.memory_space<vmem>>) target_semaphore(%run_scoped3A : memref<!tpu.dma_semaphore, #tpu.memory_space<semaphore_mem>>)
      %dma_wait3A = arith.constant 0 : i32
      %dma_wait3A_75 = tpu.memref_slice %arg6[%add3A_61, %dma_wait3A] : memref<10240x128xf32, #tpu.memory_space<vmem_shared>> -> memref<128x128xf32, #tpu.memory_space<vmem_shared>>
      %dma_wait3A_76 = arith.constant 0 : i32
      %dma_wait3A_77 = tpu.memref_slice %arg6[%add3A_61, %dma_wait3A_76] : memref<10240x128xf32, #tpu.memory_space<vmem_shared>> -> memref<128x128xf32, #tpu.memory_space<vmem_shared>>
      tpu.wait_dma2 semaphore(%run_scoped3A : memref<!tpu.dma_semaphore, #tpu.memory_space<semaphore_mem>>) src(%dma_wait3A_77 : memref<128x128xf32, #tpu.memory_space<vmem_shared>>) dst(%arg9 : memref<128x128xf32, #tpu.memory_space<vmem>>)
      tpu.yield
    }) : () -> ()
    %mul3A_62 = arith.constant 10240 : i32
    %mul3A_63 = arith.muli %arg0, %mul3A_62 : i32
    %add3A_64 = arith.addi %mul3A_63, %add3A_61 : i32
    "tpu.region"() ({
      %run_scoped3A = tpu.sem_alloc : memref<!tpu.dma_semaphore, #tpu.memory_space<semaphore_mem>>
      %dma_start3A = arith.constant 0 : i32
      %dma_start3A_72 = tpu.memref_slice %arg5[%add3A_64, %dma_start3A] : memref<20480x128xf32, #tpu.memory_space<hbm>> -> memref<128x128xf32, #tpu.memory_space<hbm>>
      %dma_start3A_73 = arith.constant 0 : i32
      %dma_start3A_74 = tpu.memref_slice %arg5[%add3A_64, %dma_start3A_73] : memref<20480x128xf32, #tpu.memory_space<hbm>> -> memref<128x128xf32, #tpu.memory_space<hbm>>
      tpu.enqueue_dma source(%arg9 : memref<128x128xf32, #tpu.memory_space<vmem>>) target(%dma_start3A_74 : memref<128x128xf32, #tpu.memory_space<hbm>>) target_semaphore(%run_scoped3A : memref<!tpu.dma_semaphore, #tpu.memory_space<semaphore_mem>>)
      %dma_wait3A = arith.constant 0 : i32
      %dma_wait3A_75 = tpu.memref_slice %arg5[%add3A_64, %dma_wait3A] : memref<20480x128xf32, #tpu.memory_space<hbm>> -> memref<128x128xf32, #tpu.memory_space<hbm>>
      %dma_wait3A_76 = arith.constant 0 : i32
      %dma_wait3A_77 = tpu.memref_slice %arg5[%add3A_64, %dma_wait3A_76] : memref<20480x128xf32, #tpu.memory_space<hbm>> -> memref<128x128xf32, #tpu.memory_space<hbm>>
      tpu.wait_dma2 semaphore(%run_scoped3A : memref<!tpu.dma_semaphore, #tpu.memory_space<semaphore_mem>>) src(%arg9 : memref<128x128xf32, #tpu.memory_space<vmem>>) dst(%dma_wait3A_77 : memref<128x128xf32, #tpu.memory_space<hbm>>)
      tpu.yield
    }) : () -> ()
    %mul3A_65 = arith.constant 640 : i32
    %mul3A_66 = arith.muli %arg1, %mul3A_65 : i32
    %add3A_67 = arith.constant 512 : i32
    %add3A_68 = arith.addi %mul3A_66, %add3A_67 : i32
    "tpu.region"() ({
      %run_scoped3A = tpu.sem_alloc : memref<!tpu.dma_semaphore, #tpu.memory_space<semaphore_mem>>
      %dma_start3A = arith.constant 0 : i32
      %dma_start3A_72 = tpu.memref_slice %arg6[%add3A_68, %dma_start3A] : memref<10240x128xf32, #tpu.memory_space<vmem_shared>> -> memref<128x128xf32, #tpu.memory_space<vmem_shared>>
      %dma_start3A_73 = arith.constant 0 : i32
      %dma_start3A_74 = tpu.memref_slice %arg6[%add3A_68, %dma_start3A_73] : memref<10240x128xf32, #tpu.memory_space<vmem_shared>> -> memref<128x128xf32, #tpu.memory_space<vmem_shared>>
      tpu.enqueue_dma source(%dma_start3A_74 : memref<128x128xf32, #tpu.memory_space<vmem_shared>>) target(%arg9 : memref<128x128xf32, #tpu.memory_space<vmem>>) target_semaphore(%run_scoped3A : memref<!tpu.dma_semaphore, #tpu.memory_space<semaphore_mem>>)
      %dma_wait3A = arith.constant 0 : i32
      %dma_wait3A_75 = tpu.memref_slice %arg6[%add3A_68, %dma_wait3A] : memref<10240x128xf32, #tpu.memory_space<vmem_shared>> -> memref<128x128xf32, #tpu.memory_space<vmem_shared>>
      %dma_wait3A_76 = arith.constant 0 : i32
      %dma_wait3A_77 = tpu.memref_slice %arg6[%add3A_68, %dma_wait3A_76] : memref<10240x128xf32, #tpu.memory_space<vmem_shared>> -> memref<128x128xf32, #tpu.memory_space<vmem_shared>>
      tpu.wait_dma2 semaphore(%run_scoped3A : memref<!tpu.dma_semaphore, #tpu.memory_space<semaphore_mem>>) src(%dma_wait3A_77 : memref<128x128xf32, #tpu.memory_space<vmem_shared>>) dst(%arg9 : memref<128x128xf32, #tpu.memory_space<vmem>>)
      tpu.yield
    }) : () -> ()
    %mul3A_69 = arith.constant 10240 : i32
    %mul3A_70 = arith.muli %arg0, %mul3A_69 : i32
    %add3A_71 = arith.addi %mul3A_70, %add3A_68 : i32
    "tpu.region"() ({
      %run_scoped3A = tpu.sem_alloc : memref<!tpu.dma_semaphore, #tpu.memory_space<semaphore_mem>>
      %dma_start3A = arith.constant 0 : i32
      %dma_start3A_72 = tpu.memref_slice %arg5[%add3A_71, %dma_start3A] : memref<20480x128xf32, #tpu.memory_space<hbm>> -> memref<128x128xf32, #tpu.memory_space<hbm>>
      %dma_start3A_73 = arith.constant 0 : i32
      %dma_start3A_74 = tpu.memref_slice %arg5[%add3A_71, %dma_start3A_73] : memref<20480x128xf32, #tpu.memory_space<hbm>> -> memref<128x128xf32, #tpu.memory_space<hbm>>
      tpu.enqueue_dma source(%arg9 : memref<128x128xf32, #tpu.memory_space<vmem>>) target(%dma_start3A_74 : memref<128x128xf32, #tpu.memory_space<hbm>>) target_semaphore(%run_scoped3A : memref<!tpu.dma_semaphore, #tpu.memory_space<semaphore_mem>>)
      %dma_wait3A = arith.constant 0 : i32
      %dma_wait3A_75 = tpu.memref_slice %arg5[%add3A_71, %dma_wait3A] : memref<20480x128xf32, #tpu.memory_space<hbm>> -> memref<128x128xf32, #tpu.memory_space<hbm>>
      %dma_wait3A_76 = arith.constant 0 : i32
      %dma_wait3A_77 = tpu.memref_slice %arg5[%add3A_71, %dma_wait3A_76] : memref<20480x128xf32, #tpu.memory_space<hbm>> -> memref<128x128xf32, #tpu.memory_space<hbm>>
      tpu.wait_dma2 semaphore(%run_scoped3A : memref<!tpu.dma_semaphore, #tpu.memory_space<semaphore_mem>>) src(%arg9 : memref<128x128xf32, #tpu.memory_space<vmem>>) dst(%dma_wait3A_77 : memref<128x128xf32, #tpu.memory_space<hbm>>)
      tpu.yield
    }) : () -> ()
    return
  }
}

module attributes {stable_mosaic.version = 14 : i64} {
  func.func @_tc1_body(%arg0: i32, %arg1: memref<1024x128xf32, #tpu.memory_space<vmem>>, %arg2: memref<128x128xf32, #tpu.memory_space<vmem>>, %arg3: memref<1x128xf32, #tpu.memory_space<vmem>>, %arg4: memref<128x128xf32, #tpu.memory_space<vmem>>, %arg5: memref<2x8x128xf32, #tpu.memory_space<vmem>>, %arg6: memref<1024x128xf32, #tpu.memory_space<vmem>>, %arg7: memref<1024x128xf32, #tpu.memory_space<vmem>>) attributes {dimension_semantics = [#tpu.dimension_semantics<arbitrary>], iteration_bounds = array<i64: 10>, scalar_prefetch = 0 : i64, scratch_operands = 0 : i64, tpu.core_type = #tpu.core_type<tc>, window_params = [{transform_indices = @transform_0, window_bounds = array<i64: 1024, 128>}, {pipeline_mode = #tpu.pipeline_mode<synchronous>, transform_indices = @transform_1, window_bounds = array<i64: 128, 128>}, {pipeline_mode = #tpu.pipeline_mode<synchronous>, transform_indices = @transform_2, window_bounds = array<i64: 1, 128>}, {pipeline_mode = #tpu.pipeline_mode<synchronous>, transform_indices = @transform_3, window_bounds = array<i64: 128, 128>}, {transform_indices = @transform_4, window_bounds = array<i64: 2, 8, 128>}, {transform_indices = @transform_5, window_bounds = array<i64: 1024, 128>}, {transform_indices = @transform_6, window_bounds = array<i64: 1024, 128>}]} {
    %get3A = arith.constant 0 : index
    %get3A_0 = arith.constant 0 : index
    %get3A_1 = vector.load %arg1[%get3A, %get3A_0] : memref<1024x128xf32, #tpu.memory_space<vmem>>, vector<1024x128xf32>
    %get3A_2 = arith.constant 0 : index
    %get3A_3 = arith.constant 0 : index
    %get3A_4 = vector.load %arg2[%get3A_2, %get3A_3] : memref<128x128xf32, #tpu.memory_space<vmem>>, vector<128x128xf32>
    %dot_general3A = arith.constant dense<0.000000e+00> : vector<1024x128xf32>
    %dot_general3A_5 = tpu.matmul %get3A_1, %get3A_4, %dot_general3A {dimension_numbers = #tpu.dot_dimension_numbers<[1], [0], [0], [1], [0, 0, 1, 1], [], []>, transpose_lhs_hint = false} : vector<1024x128xf32>, vector<128x128xf32>, vector<1024x128xf32> -> vector<1024x128xf32>
    %get3A_6 = arith.constant 0 : index
    %get3A_7 = arith.constant 0 : index
    %get3A_8 = vector.load %arg3[%get3A_6, %get3A_7] : memref<1x128xf32, #tpu.memory_space<vmem>>, vector<1x128xf32>
    %add3A = vector.broadcast %get3A_8 : vector<1x128xf32> to vector<1024x128xf32>
    %add3A_9 = arith.addf %dot_general3A_5, %add3A : vector<1024x128xf32>
    %max3A = arith.constant 0.000000e+00 : f32
    %max3A_10 = vector.broadcast %max3A : f32 to vector<1024x128xf32>
    %max3A_11 = arith.maximumf %add3A_9, %max3A_10 : vector<1024x128xf32>
    %mul3A = arith.constant 1024 : i32
    %mul3A_12 = arith.muli %arg0, %mul3A : i32
    %iota3A = tpu.iota {dimensions = array<i32: 0>} : vector<1024x128xi32>
    %add3A_13 = vector.broadcast %mul3A_12 : i32 to vector<1024x128xi32>
    %add3A_14 = arith.addi %add3A_13, %iota3A : vector<1024x128xi32>
    %lt3A = arith.constant 10000 : i32
    %lt3A_15 = vector.broadcast %lt3A : i32 to vector<1024x128xi32>
    %lt3A_16 = arith.cmpi slt, %add3A_14, %lt3A_15 : vector<1024x128xi32>
    %jit3A = arith.constant 0.000000e+00 : f32
    %broadcast_in_dim3A = vector.broadcast %jit3A : f32 to vector<1024x128xf32>
    %select_n3A = arith.select %lt3A_16, %max3A_11, %broadcast_in_dim3A : vector<1024x128xi1>, vector<1024x128xf32>
    %swap3A = arith.constant 0 : index
    %swap3A_17 = arith.constant 0 : index
    %swap3A_18 = vector.load %arg6[%swap3A, %swap3A_17] : memref<1024x128xf32, #tpu.memory_space<vmem>>, vector<1024x128xf32>
    tpu.vector_store %arg6[%swap3A, %swap3A_17], %select_n3A {strides = array<i32>} : memref<1024x128xf32, #tpu.memory_space<vmem>>, vector<1024x128xf32>,
    %get3A_19 = arith.constant 0 : index
    %get3A_20 = arith.constant 0 : index
    %get3A_21 = arith.constant 0 : index
    %get3A_22 = vector.load %arg5[%get3A_19, %get3A_20, %get3A_21] : memref<2x8x128xf32, #tpu.memory_space<vmem>>, vector<2x8x128xf32>
    %slice3A = vector.extract_strided_slice %get3A_22 {offsets = [0, 0, 0], sizes = [1, 8, 128], strides = [1, 1, 1]} : vector<2x8x128xf32> to vector<1x8x128xf32>
    %squeeze3A = vector.shape_cast %slice3A : vector<1x8x128xf32> to vector<8x128xf32>
    %slice3A_23 = vector.extract_strided_slice %get3A_22 {offsets = [1, 0, 0], sizes = [1, 8, 128], strides = [1, 1, 1]} : vector<2x8x128xf32> to vector<1x8x128xf32>
    %squeeze3A_24 = vector.shape_cast %slice3A_23 : vector<1x8x128xf32> to vector<8x128xf32>
    %add3A_25 = arith.addf %squeeze3A, %squeeze3A_24 : vector<8x128xf32>
    %iota3A_26 = tpu.iota {dimensions = array<i32: 0>} : vector<1024x8xi32>
    %iota3A_27 = tpu.iota {dimensions = array<i32: 1>} : vector<1024x8xi32>
    %jit3A_28 = arith.constant 128 : i32
    %div3A = vector.broadcast %jit3A_28 : i32 to vector<1024x8xi32>
    %div3A_29 = arith.divsi %iota3A_26, %div3A : vector<1024x8xi32>
    %sign3A = arith.constant 0 : i32
    %sign3A_30 = vector.broadcast %sign3A : i32 to vector<1024x8xi32>
    %sign3A_31 = arith.cmpi sgt, %iota3A_26, %sign3A_30 : vector<1024x8xi32>
    %sign3A_32 = arith.extui %sign3A_31 : vector<1024x8xi1> to vector<1024x8xi32>
    %sign3A_33 = arith.constant 0 : i32
    %sign3A_34 = vector.broadcast %sign3A_33 : i32 to vector<1024x8xi32>
    %sign3A_35 = arith.cmpi slt, %iota3A_26, %sign3A_34 : vector<1024x8xi32>
    %sign3A_36 = arith.extui %sign3A_35 : vector<1024x8xi1> to vector<1024x8xi32>
    %sign3A_37 = arith.subi %sign3A_32, %sign3A_36 : vector<1024x8xi32>
    %sign3A_38 = arith.constant 0 : i32
    %sign3A_39 = arith.cmpi sgt, %jit3A_28, %sign3A_38 : i32
    %sign3A_40 = arith.extui %sign3A_39 : i1 to i32
    %sign3A_41 = arith.constant 0 : i32
    %sign3A_42 = arith.cmpi slt, %jit3A_28, %sign3A_41 : i32
    %sign3A_43 = arith.extui %sign3A_42 : i1 to i32
    %sign3A_44 = arith.subi %sign3A_40, %sign3A_43 : i32
    %ne3A = vector.broadcast %sign3A_44 : i32 to vector<1024x8xi32>
    %ne3A_45 = arith.cmpi ne, %sign3A_37, %ne3A : vector<1024x8xi32>
    %rem3A = vector.broadcast %jit3A_28 : i32 to vector<1024x8xi32>
    %rem3A_46 = arith.remsi %iota3A_26, %rem3A : vector<1024x8xi32>
    %ne3A_47 = arith.constant 0 : i32
    %ne3A_48 = vector.broadcast %ne3A_47 : i32 to vector<1024x8xi32>
    %ne3A_49 = arith.cmpi ne, %rem3A_46, %ne3A_48 : vector<1024x8xi32>
    %and3A = arith.andi %ne3A_45, %ne3A_49 : vector<1024x8xi1>
    %sub3A = arith.constant 1 : i32
    %sub3A_50 = vector.broadcast %sub3A : i32 to vector<1024x8xi32>
    %sub3A_51 = arith.subi %div3A_29, %sub3A_50 : vector<1024x8xi32>
    %select_n3A_52 = arith.select %and3A, %sub3A_51, %div3A_29 : vector<1024x8xi1>, vector<1024x8xi32>
    %eq3A = arith.cmpi eq, %select_n3A_52, %iota3A_27 : vector<1024x8xi32>
    %jit3A_53 = arith.constant 1.000000e+00 : f32
    %jit3A_54 = arith.constant 0.000000e+00 : f32
    %broadcast_in_dim3A_55 = vector.broadcast %jit3A_53 : f32 to vector<1024x8xf32>
    %broadcast_in_dim3A_56 = vector.broadcast %jit3A_54 : f32 to vector<1024x8xf32>
    %select_n3A_57 = arith.select %eq3A, %broadcast_in_dim3A_55, %broadcast_in_dim3A_56 : vector<1024x8xi1>, vector<1024x8xf32>
    %dot_general3A_58 = arith.constant dense<0.000000e+00> : vector<1024x128xf32>
    %dot_general3A_59 = tpu.matmul %select_n3A_57, %add3A_25, %dot_general3A_58 {dimension_numbers = #tpu.dot_dimension_numbers<[1], [0], [0], [1], [0, 0, 1, 1], [], []>, transpose_lhs_hint = false} : vector<1024x8xf32>, vector<8x128xf32>, vector<1024x128xf32> -> vector<1024x128xf32>
    %iota3A_60 = tpu.iota {dimensions = array<i32: 0>} : vector<1024x128xi32>
    %iota3A_61 = tpu.iota {dimensions = array<i32: 1>} : vector<1024x128xi32>
    %jit3A_62 = arith.constant 128 : i32
    %eq3A_63 = arith.constant 0 : i32
    %eq3A_64 = arith.cmpi eq, %jit3A_62, %eq3A_63 : i32
    %jit3A_65 = arith.constant 1 : i32
    %select_n3A_66 = arith.select %eq3A_64, %jit3A_65, %jit3A_62 : i32
    %rem3A_67 = vector.broadcast %select_n3A_66 : i32 to vector<1024x128xi32>
    %rem3A_68 = arith.remsi %iota3A_60, %rem3A_67 : vector<1024x128xi32>
    %ne3A_69 = arith.constant 0 : i32
    %ne3A_70 = vector.broadcast %ne3A_69 : i32 to vector<1024x128xi32>
    %ne3A_71 = arith.cmpi ne, %rem3A_68, %ne3A_70 : vector<1024x128xi32>
    %lt3A_72 = arith.constant 0 : i32
    %lt3A_73 = vector.broadcast %lt3A_72 : i32 to vector<1024x128xi32>
    %lt3A_74 = arith.cmpi slt, %rem3A_68, %lt3A_73 : vector<1024x128xi32>
    %lt3A_75 = arith.constant 0 : i32
    %lt3A_76 = arith.cmpi slt, %select_n3A_66, %lt3A_75 : i32
    %ne3A_77 = vector.broadcast %lt3A_76 : i1 to vector<1024x128xi1>
    %ne3A_78 = vector.broadcast %ne3A_77 : vector<1024x128xi1> to vector<1024x128xi1>
    %ne3A_79 = arith.xori %lt3A_74, %ne3A_78 : vector<1024x128xi1>
    %and3A_80 = arith.andi %ne3A_79, %ne3A_71 : vector<1024x128xi1>
    %add3A_81 = vector.broadcast %select_n3A_66 : i32 to vector<1024x128xi32>
    %add3A_82 = arith.addi %rem3A_68, %add3A_81 : vector<1024x128xi32>
    %select_n3A_83 = arith.select %and3A_80, %add3A_82, %rem3A_68 : vector<1024x128xi1>, vector<1024x128xi32>
    %eq3A_84 = arith.cmpi eq, %select_n3A_83, %iota3A_61 : vector<1024x128xi32>
    %jit3A_85 = arith.constant 0.000000e+00 : f32
    %broadcast_in_dim3A_86 = vector.broadcast %jit3A_85 : f32 to vector<1024x128xf32>
    %select_n3A_87 = arith.select %eq3A_84, %dot_general3A_59, %broadcast_in_dim3A_86 : vector<1024x128xi1>, vector<1024x128xf32>
    %reduce_sum3A = arith.constant dense<0.000000e+00> : vector<1024xf32>
    %reduce_sum3A_88 = vector.multi_reduction <add>, %select_n3A_87, %reduce_sum3A [1] : vector<1024x128xf32> to vector<1024xf32>
    %broadcast_in_dim3A_89 = vector.shape_cast %reduce_sum3A_88 : vector<1024xf32> to vector<1024x1xf32>
    %max3A_90 = arith.constant 9.99999996E-13 : f32
    %max3A_91 = vector.broadcast %max3A_90 : f32 to vector<1024x1xf32>
    %max3A_92 = arith.maximumf %broadcast_in_dim3A_89, %max3A_91 : vector<1024x1xf32>
    %rsqrt3A = math.rsqrt %max3A_92 : vector<1024x1xf32>
    %mul3A_93 = vector.broadcast %rsqrt3A : vector<1024x1xf32> to vector<1024x128xf32>
    %mul3A_94 = arith.mulf %select_n3A, %mul3A_93 : vector<1024x128xf32>
    %get3A_95 = arith.constant 0 : index
    %get3A_96 = arith.constant 0 : index
    %get3A_97 = vector.load %arg4[%get3A_95, %get3A_96] : memref<128x128xf32, #tpu.memory_space<vmem>>, vector<128x128xf32>
    %dot_general3A_98 = arith.constant dense<0.000000e+00> : vector<1024x128xf32>
    %dot_general3A_99 = tpu.matmul %mul3A_94, %get3A_97, %dot_general3A_98 {dimension_numbers = #tpu.dot_dimension_numbers<[1], [0], [0], [1], [0, 0, 1, 1], [], []>, transpose_lhs_hint = false} : vector<1024x128xf32>, vector<128x128xf32>, vector<1024x128xf32> -> vector<1024x128xf32>
    %swap3A_100 = arith.constant 0 : index
    %swap3A_101 = arith.constant 0 : index
    %swap3A_102 = vector.load %arg7[%swap3A_100, %swap3A_101] : memref<1024x128xf32, #tpu.memory_space<vmem>>, vector<1024x128xf32>
    tpu.vector_store %arg7[%swap3A_100, %swap3A_101], %dot_general3A_99 {strides = array<i32>} : memref<1024x128xf32, #tpu.memory_space<vmem>>, vector<1024x128xf32>,
    return
  }
  func.func @transform_0(%arg0: i32) -> (i32, i32) {
    %c0_i32 = arith.constant 0 : i32
    %c0_i32_0 = arith.constant 0 : i32
    return %arg0, %c0_i32 : i32, i32
  }
  func.func @transform_1(%arg0: i32) -> (i32, i32) {
    %c0_i32 = arith.constant 0 : i32
    %c0_i32_0 = arith.constant 0 : i32
    %c0_i32_1 = arith.constant 0 : i32
    return %c0_i32, %c0_i32_0 : i32, i32
  }
  func.func @transform_2(%arg0: i32) -> (i32, i32) {
    %c0_i32 = arith.constant 0 : i32
    %c0_i32_0 = arith.constant 0 : i32
    %c0_i32_1 = arith.constant 0 : i32
    return %c0_i32, %c0_i32_0 : i32, i32
  }
  func.func @transform_3(%arg0: i32) -> (i32, i32) {
    %c0_i32 = arith.constant 0 : i32
    %c0_i32_0 = arith.constant 0 : i32
    %c0_i32_1 = arith.constant 0 : i32
    return %c0_i32, %c0_i32_0 : i32, i32
  }
  func.func @transform_4(%arg0: i32) -> (i32, i32, i32) {
    %c0_i32 = arith.constant 0 : i32
    %c0_i32_0 = arith.constant 0 : i32
    %c0_i32_1 = arith.constant 0 : i32
    return %c0_i32, %arg0, %c0_i32_0 : i32, i32, i32
  }
  func.func @transform_5(%arg0: i32) -> (i32, i32) {
    %c0_i32 = arith.constant 0 : i32
    %c0_i32_0 = arith.constant 0 : i32
    return %arg0, %c0_i32 : i32, i32
  }
  func.func @transform_6(%arg0: i32) -> (i32, i32) {
    %c0_i32 = arith.constant 0 : i32
    %c0_i32_0 = arith.constant 0 : i32
    return %arg0, %c0_i32 : i32, i32
  }
}

module attributes {stable_mosaic.version = 14 : i64} {
  func.func @_tc2_body(%arg0: i32, %arg1: memref<2x1024x128xf32, #tpu.memory_space<vmem>>, %arg2: memref<1024x128xf32, #tpu.memory_space<vmem>>, %arg3: memref<1x128xf32, #tpu.memory_space<vmem>>, %arg4: memref<128x128xf32, #tpu.memory_space<vmem>>, %arg5: memref<2x8x128xf32, #tpu.memory_space<vmem>>, %arg6: memref<1024x128xf32, #tpu.memory_space<vmem>>, %arg7: memref<1024x128xf32, #tpu.memory_space<vmem>>) attributes {dimension_semantics = [#tpu.dimension_semantics<arbitrary>], iteration_bounds = array<i64: 10>, scalar_prefetch = 0 : i64, scratch_operands = 0 : i64, tpu.core_type = #tpu.core_type<tc>, window_params = [{transform_indices = @transform_0, window_bounds = array<i64: 2, 1024, 128>}, {transform_indices = @transform_1, window_bounds = array<i64: 1024, 128>}, {pipeline_mode = #tpu.pipeline_mode<synchronous>, transform_indices = @transform_2, window_bounds = array<i64: 1, 128>}, {pipeline_mode = #tpu.pipeline_mode<synchronous>, transform_indices = @transform_3, window_bounds = array<i64: 128, 128>}, {transform_indices = @transform_4, window_bounds = array<i64: 2, 8, 128>}, {transform_indices = @transform_5, window_bounds = array<i64: 1024, 128>}, {transform_indices = @transform_6, window_bounds = array<i64: 1024, 128>}]} {
    %get3A = arith.constant 0 : index
    %get3A_0 = arith.constant 0 : index
    %get3A_1 = arith.constant 0 : index
    %get3A_2 = vector.load %arg5[%get3A, %get3A_0, %get3A_1] : memref<2x8x128xf32, #tpu.memory_space<vmem>>, vector<2x8x128xf32>
    %slice3A = vector.extract_strided_slice %get3A_2 {offsets = [0, 0, 0], sizes = [1, 8, 128], strides = [1, 1, 1]} : vector<2x8x128xf32> to vector<1x8x128xf32>
    %squeeze3A = vector.shape_cast %slice3A : vector<1x8x128xf32> to vector<8x128xf32>
    %slice3A_3 = vector.extract_strided_slice %get3A_2 {offsets = [1, 0, 0], sizes = [1, 8, 128], strides = [1, 1, 1]} : vector<2x8x128xf32> to vector<1x8x128xf32>
    %squeeze3A_4 = vector.shape_cast %slice3A_3 : vector<1x8x128xf32> to vector<8x128xf32>
    %add3A = arith.addf %squeeze3A, %squeeze3A_4 : vector<8x128xf32>
    %iota3A = tpu.iota {dimensions = array<i32: 0>} : vector<1024x8xi32>
    %iota3A_5 = tpu.iota {dimensions = array<i32: 1>} : vector<1024x8xi32>
    %jit3A = arith.constant 128 : i32
    %div3A = vector.broadcast %jit3A : i32 to vector<1024x8xi32>
    %div3A_6 = arith.divsi %iota3A, %div3A : vector<1024x8xi32>
    %sign3A = arith.constant 0 : i32
    %sign3A_7 = vector.broadcast %sign3A : i32 to vector<1024x8xi32>
    %sign3A_8 = arith.cmpi sgt, %iota3A, %sign3A_7 : vector<1024x8xi32>
    %sign3A_9 = arith.extui %sign3A_8 : vector<1024x8xi1> to vector<1024x8xi32>
    %sign3A_10 = arith.constant 0 : i32
    %sign3A_11 = vector.broadcast %sign3A_10 : i32 to vector<1024x8xi32>
    %sign3A_12 = arith.cmpi slt, %iota3A, %sign3A_11 : vector<1024x8xi32>
    %sign3A_13 = arith.extui %sign3A_12 : vector<1024x8xi1> to vector<1024x8xi32>
    %sign3A_14 = arith.subi %sign3A_9, %sign3A_13 : vector<1024x8xi32>
    %sign3A_15 = arith.constant 0 : i32
    %sign3A_16 = arith.cmpi sgt, %jit3A, %sign3A_15 : i32
    %sign3A_17 = arith.extui %sign3A_16 : i1 to i32
    %sign3A_18 = arith.constant 0 : i32
    %sign3A_19 = arith.cmpi slt, %jit3A, %sign3A_18 : i32
    %sign3A_20 = arith.extui %sign3A_19 : i1 to i32
    %sign3A_21 = arith.subi %sign3A_17, %sign3A_20 : i32
    %ne3A = vector.broadcast %sign3A_21 : i32 to vector<1024x8xi32>
    %ne3A_22 = arith.cmpi ne, %sign3A_14, %ne3A : vector<1024x8xi32>
    %rem3A = vector.broadcast %jit3A : i32 to vector<1024x8xi32>
    %rem3A_23 = arith.remsi %iota3A, %rem3A : vector<1024x8xi32>
    %ne3A_24 = arith.constant 0 : i32
    %ne3A_25 = vector.broadcast %ne3A_24 : i32 to vector<1024x8xi32>
    %ne3A_26 = arith.cmpi ne, %rem3A_23, %ne3A_25 : vector<1024x8xi32>
    %and3A = arith.andi %ne3A_22, %ne3A_26 : vector<1024x8xi1>
    %sub3A = arith.constant 1 : i32
    %sub3A_27 = vector.broadcast %sub3A : i32 to vector<1024x8xi32>
    %sub3A_28 = arith.subi %div3A_6, %sub3A_27 : vector<1024x8xi32>
    %select_n3A = arith.select %and3A, %sub3A_28, %div3A_6 : vector<1024x8xi1>, vector<1024x8xi32>
    %eq3A = arith.cmpi eq, %select_n3A, %iota3A_5 : vector<1024x8xi32>
    %jit3A_29 = arith.constant 1.000000e+00 : f32
    %jit3A_30 = arith.constant 0.000000e+00 : f32
    %broadcast_in_dim3A = vector.broadcast %jit3A_29 : f32 to vector<1024x8xf32>
    %broadcast_in_dim3A_31 = vector.broadcast %jit3A_30 : f32 to vector<1024x8xf32>
    %select_n3A_32 = arith.select %eq3A, %broadcast_in_dim3A, %broadcast_in_dim3A_31 : vector<1024x8xi1>, vector<1024x8xf32>
    %dot_general3A = arith.constant dense<0.000000e+00> : vector<1024x128xf32>
    %dot_general3A_33 = tpu.matmul %select_n3A_32, %add3A, %dot_general3A {dimension_numbers = #tpu.dot_dimension_numbers<[1], [0], [0], [1], [0, 0, 1, 1], [], []>, transpose_lhs_hint = false} : vector<1024x8xf32>, vector<8x128xf32>, vector<1024x128xf32> -> vector<1024x128xf32>
    %iota3A_34 = tpu.iota {dimensions = array<i32: 0>} : vector<1024x128xi32>
    %iota3A_35 = tpu.iota {dimensions = array<i32: 1>} : vector<1024x128xi32>
    %jit3A_36 = arith.constant 128 : i32
    %eq3A_37 = arith.constant 0 : i32
    %eq3A_38 = arith.cmpi eq, %jit3A_36, %eq3A_37 : i32
    %jit3A_39 = arith.constant 1 : i32
    %select_n3A_40 = arith.select %eq3A_38, %jit3A_39, %jit3A_36 : i32
    %rem3A_41 = vector.broadcast %select_n3A_40 : i32 to vector<1024x128xi32>
    %rem3A_42 = arith.remsi %iota3A_34, %rem3A_41 : vector<1024x128xi32>
    %ne3A_43 = arith.constant 0 : i32
    %ne3A_44 = vector.broadcast %ne3A_43 : i32 to vector<1024x128xi32>
    %ne3A_45 = arith.cmpi ne, %rem3A_42, %ne3A_44 : vector<1024x128xi32>
    %lt3A = arith.constant 0 : i32
    %lt3A_46 = vector.broadcast %lt3A : i32 to vector<1024x128xi32>
    %lt3A_47 = arith.cmpi slt, %rem3A_42, %lt3A_46 : vector<1024x128xi32>
    %lt3A_48 = arith.constant 0 : i32
    %lt3A_49 = arith.cmpi slt, %select_n3A_40, %lt3A_48 : i32
    %ne3A_50 = vector.broadcast %lt3A_49 : i1 to vector<1024x128xi1>
    %ne3A_51 = vector.broadcast %ne3A_50 : vector<1024x128xi1> to vector<1024x128xi1>
    %ne3A_52 = arith.xori %lt3A_47, %ne3A_51 : vector<1024x128xi1>
    %and3A_53 = arith.andi %ne3A_52, %ne3A_45 : vector<1024x128xi1>
    %add3A_54 = vector.broadcast %select_n3A_40 : i32 to vector<1024x128xi32>
    %add3A_55 = arith.addi %rem3A_42, %add3A_54 : vector<1024x128xi32>
    %select_n3A_56 = arith.select %and3A_53, %add3A_55, %rem3A_42 : vector<1024x128xi1>, vector<1024x128xi32>
    %eq3A_57 = arith.cmpi eq, %select_n3A_56, %iota3A_35 : vector<1024x128xi32>
    %jit3A_58 = arith.constant 0.000000e+00 : f32
    %broadcast_in_dim3A_59 = vector.broadcast %jit3A_58 : f32 to vector<1024x128xf32>
    %select_n3A_60 = arith.select %eq3A_57, %dot_general3A_33, %broadcast_in_dim3A_59 : vector<1024x128xi1>, vector<1024x128xf32>
    %reduce_sum3A = arith.constant dense<0.000000e+00> : vector<1024xf32>
    %reduce_sum3A_61 = vector.multi_reduction <add>, %select_n3A_60, %reduce_sum3A [1] : vector<1024x128xf32> to vector<1024xf32>
    %broadcast_in_dim3A_62 = vector.shape_cast %reduce_sum3A_61 : vector<1024xf32> to vector<1024x1xf32>
    %max3A = arith.constant 9.99999996E-13 : f32
    %max3A_63 = vector.broadcast %max3A : f32 to vector<1024x1xf32>
    %max3A_64 = arith.maximumf %broadcast_in_dim3A_62, %max3A_63 : vector<1024x1xf32>
    %rsqrt3A = math.rsqrt %max3A_64 : vector<1024x1xf32>
    %get3A_65 = arith.constant 0 : index
    %get3A_66 = arith.constant 0 : index
    %get3A_67 = arith.constant 0 : index
    %get3A_68 = vector.load %arg1[%get3A_65, %get3A_66, %get3A_67] : memref<2x1024x128xf32, #tpu.memory_space<vmem>>, vector<1x1024x128xf32>
    %get3A_69 = vector.shape_cast %get3A_68 : vector<1x1024x128xf32> to vector<1024x128xf32>
    %get3A_70 = arith.constant 1 : index
    %get3A_71 = arith.constant 0 : index
    %get3A_72 = arith.constant 0 : index
    %get3A_73 = vector.load %arg1[%get3A_70, %get3A_71, %get3A_72] : memref<2x1024x128xf32, #tpu.memory_space<vmem>>, vector<1x1024x128xf32>
    %get3A_74 = vector.shape_cast %get3A_73 : vector<1x1024x128xf32> to vector<1024x128xf32>
    %add3A_75 = arith.addf %get3A_69, %get3A_74 : vector<1024x128xf32>
    %mul3A = vector.broadcast %rsqrt3A : vector<1024x1xf32> to vector<1024x128xf32>
    %mul3A_76 = arith.mulf %mul3A, %add3A_75 : vector<1024x128xf32>
    %get3A_77 = arith.constant 0 : index
    %get3A_78 = arith.constant 0 : index
    %get3A_79 = vector.load %arg3[%get3A_77, %get3A_78] : memref<1x128xf32, #tpu.memory_space<vmem>>, vector<1x128xf32>
    %add3A_80 = vector.broadcast %get3A_79 : vector<1x128xf32> to vector<1024x128xf32>
    %add3A_81 = arith.addf %mul3A_76, %add3A_80 : vector<1024x128xf32>
    %max3A_82 = arith.constant 0.000000e+00 : f32
    %max3A_83 = vector.broadcast %max3A_82 : f32 to vector<1024x128xf32>
    %max3A_84 = arith.maximumf %add3A_81, %max3A_83 : vector<1024x128xf32>
    %get3A_85 = arith.constant 0 : index
    %get3A_86 = arith.constant 0 : index
    %get3A_87 = vector.load %arg2[%get3A_85, %get3A_86] : memref<1024x128xf32, #tpu.memory_space<vmem>>, vector<1024x128xf32>
    %add3A_88 = arith.addf %max3A_84, %get3A_87 : vector<1024x128xf32>
    %mul3A_89 = arith.constant 1024 : i32
    %mul3A_90 = arith.muli %arg0, %mul3A_89 : i32
    %iota3A_91 = tpu.iota {dimensions = array<i32: 0>} : vector<1024x128xi32>
    %add3A_92 = vector.broadcast %mul3A_90 : i32 to vector<1024x128xi32>
    %add3A_93 = arith.addi %add3A_92, %iota3A_91 : vector<1024x128xi32>
    %lt3A_94 = arith.constant 10000 : i32
    %lt3A_95 = vector.broadcast %lt3A_94 : i32 to vector<1024x128xi32>
    %lt3A_96 = arith.cmpi slt, %add3A_93, %lt3A_95 : vector<1024x128xi32>
    %jit3A_97 = arith.constant 0.000000e+00 : f32
    %broadcast_in_dim3A_98 = vector.broadcast %jit3A_97 : f32 to vector<1024x128xf32>
    %select_n3A_99 = arith.select %lt3A_96, %add3A_88, %broadcast_in_dim3A_98 : vector<1024x128xi1>, vector<1024x128xf32>
    %swap3A = arith.constant 0 : index
    %swap3A_100 = arith.constant 0 : index
    %swap3A_101 = vector.load %arg6[%swap3A, %swap3A_100] : memref<1024x128xf32, #tpu.memory_space<vmem>>, vector<1024x128xf32>
    tpu.vector_store %arg6[%swap3A, %swap3A_100], %select_n3A_99 {strides = array<i32>} : memref<1024x128xf32, #tpu.memory_space<vmem>>, vector<1024x128xf32>,
    %mul3A_102 = vector.broadcast %rsqrt3A : vector<1024x1xf32> to vector<1024x128xf32>
    %mul3A_103 = arith.mulf %select_n3A_99, %mul3A_102 : vector<1024x128xf32>
    %get3A_104 = arith.constant 0 : index
    %get3A_105 = arith.constant 0 : index
    %get3A_106 = vector.load %arg4[%get3A_104, %get3A_105] : memref<128x128xf32, #tpu.memory_space<vmem>>, vector<128x128xf32>
    %dot_general3A_107 = arith.constant dense<0.000000e+00> : vector<1024x128xf32>
    %dot_general3A_108 = tpu.matmul %mul3A_103, %get3A_106, %dot_general3A_107 {dimension_numbers = #tpu.dot_dimension_numbers<[1], [0], [0], [1], [0, 0, 1, 1], [], []>, transpose_lhs_hint = false} : vector<1024x128xf32>, vector<128x128xf32>, vector<1024x128xf32> -> vector<1024x128xf32>
    %swap3A_109 = arith.constant 0 : index
    %swap3A_110 = arith.constant 0 : index
    %swap3A_111 = vector.load %arg7[%swap3A_109, %swap3A_110] : memref<1024x128xf32, #tpu.memory_space<vmem>>, vector<1024x128xf32>
    tpu.vector_store %arg7[%swap3A_109, %swap3A_110], %dot_general3A_108 {strides = array<i32>} : memref<1024x128xf32, #tpu.memory_space<vmem>>, vector<1024x128xf32>,
    return
  }
  func.func @transform_0(%arg0: i32) -> (i32, i32, i32) {
    %c0_i32 = arith.constant 0 : i32
    %c0_i32_0 = arith.constant 0 : i32
    %c0_i32_1 = arith.constant 0 : i32
    return %c0_i32, %arg0, %c0_i32_0 : i32, i32, i32
  }
  func.func @transform_1(%arg0: i32) -> (i32, i32) {
    %c0_i32 = arith.constant 0 : i32
    %c0_i32_0 = arith.constant 0 : i32
    return %arg0, %c0_i32 : i32, i32
  }
  func.func @transform_2(%arg0: i32) -> (i32, i32) {
    %c0_i32 = arith.constant 0 : i32
    %c0_i32_0 = arith.constant 0 : i32
    %c0_i32_1 = arith.constant 0 : i32
    return %c0_i32, %c0_i32_0 : i32, i32
  }
  func.func @transform_3(%arg0: i32) -> (i32, i32) {
    %c0_i32 = arith.constant 0 : i32
    %c0_i32_0 = arith.constant 0 : i32
    %c0_i32_1 = arith.constant 0 : i32
    return %c0_i32, %c0_i32_0 : i32, i32
  }
  func.func @transform_4(%arg0: i32) -> (i32, i32, i32) {
    %c0_i32 = arith.constant 0 : i32
    %c0_i32_0 = arith.constant 0 : i32
    %c0_i32_1 = arith.constant 0 : i32
    return %c0_i32, %arg0, %c0_i32_0 : i32, i32, i32
  }
  func.func @transform_5(%arg0: i32) -> (i32, i32) {
    %c0_i32 = arith.constant 0 : i32
    %c0_i32_0 = arith.constant 0 : i32
    return %arg0, %c0_i32 : i32, i32
  }
  func.func @transform_6(%arg0: i32) -> (i32, i32) {
    %c0_i32 = arith.constant 0 : i32
    %c0_i32_0 = arith.constant 0 : i32
    return %arg0, %c0_i32 : i32, i32
  }
}

module attributes {stable_mosaic.version = 14 : i64} {
  func.func @_tc3_body(%arg0: i32, %arg1: memref<2x1024x128xf32, #tpu.memory_space<vmem>>, %arg2: memref<1024x128xf32, #tpu.memory_space<vmem>>, %arg3: memref<1x128xf32, #tpu.memory_space<vmem>>, %arg4: memref<2x8x128xf32, #tpu.memory_space<vmem>>, %arg5: memref<128x128xf32, #tpu.memory_space<vmem>>, %arg6: memref<1x128xf32, #tpu.memory_space<vmem>>, %arg7: memref<1x128xf32, #tpu.memory_space<vmem>>, %arg8: memref<1x128xf32, #tpu.memory_space<vmem>>) attributes {dimension_semantics = [#tpu.dimension_semantics<arbitrary>], iteration_bounds = array<i64: 10>, scalar_prefetch = 0 : i64, scratch_operands = 1 : i64, tpu.core_type = #tpu.core_type<tc>, window_params = [{transform_indices = @transform_0, window_bounds = array<i64: 2, 1024, 128>}, {transform_indices = @transform_1, window_bounds = array<i64: 1024, 128>}, {pipeline_mode = #tpu.pipeline_mode<synchronous>, transform_indices = @transform_2, window_bounds = array<i64: 1, 128>}, {transform_indices = @transform_3, window_bounds = array<i64: 2, 8, 128>}, {pipeline_mode = #tpu.pipeline_mode<synchronous>, transform_indices = @transform_4, window_bounds = array<i64: 128, 128>}, {pipeline_mode = #tpu.pipeline_mode<synchronous>, transform_indices = @transform_5, window_bounds = array<i64: 1, 128>}, {pipeline_mode = #tpu.pipeline_mode<synchronous>, transform_indices = @transform_6, window_bounds = array<i64: 1, 128>}]} {
    %get3A = arith.constant 0 : index
    %get3A_0 = arith.constant 0 : index
    %get3A_1 = arith.constant 0 : index
    %get3A_2 = vector.load %arg4[%get3A, %get3A_0, %get3A_1] : memref<2x8x128xf32, #tpu.memory_space<vmem>>, vector<2x8x128xf32>
    %slice3A = vector.extract_strided_slice %get3A_2 {offsets = [0, 0, 0], sizes = [1, 8, 128], strides = [1, 1, 1]} : vector<2x8x128xf32> to vector<1x8x128xf32>
    %squeeze3A = vector.shape_cast %slice3A : vector<1x8x128xf32> to vector<8x128xf32>
    %slice3A_3 = vector.extract_strided_slice %get3A_2 {offsets = [1, 0, 0], sizes = [1, 8, 128], strides = [1, 1, 1]} : vector<2x8x128xf32> to vector<1x8x128xf32>
    %squeeze3A_4 = vector.shape_cast %slice3A_3 : vector<1x8x128xf32> to vector<8x128xf32>
    %add3A = arith.addf %squeeze3A, %squeeze3A_4 : vector<8x128xf32>
    %iota3A = tpu.iota {dimensions = array<i32: 0>} : vector<1024x8xi32>
    %iota3A_5 = tpu.iota {dimensions = array<i32: 1>} : vector<1024x8xi32>
    %jit3A = arith.constant 128 : i32
    %div3A = vector.broadcast %jit3A : i32 to vector<1024x8xi32>
    %div3A_6 = arith.divsi %iota3A, %div3A : vector<1024x8xi32>
    %sign3A = arith.constant 0 : i32
    %sign3A_7 = vector.broadcast %sign3A : i32 to vector<1024x8xi32>
    %sign3A_8 = arith.cmpi sgt, %iota3A, %sign3A_7 : vector<1024x8xi32>
    %sign3A_9 = arith.extui %sign3A_8 : vector<1024x8xi1> to vector<1024x8xi32>
    %sign3A_10 = arith.constant 0 : i32
    %sign3A_11 = vector.broadcast %sign3A_10 : i32 to vector<1024x8xi32>
    %sign3A_12 = arith.cmpi slt, %iota3A, %sign3A_11 : vector<1024x8xi32>
    %sign3A_13 = arith.extui %sign3A_12 : vector<1024x8xi1> to vector<1024x8xi32>
    %sign3A_14 = arith.subi %sign3A_9, %sign3A_13 : vector<1024x8xi32>
    %sign3A_15 = arith.constant 0 : i32
    %sign3A_16 = arith.cmpi sgt, %jit3A, %sign3A_15 : i32
    %sign3A_17 = arith.extui %sign3A_16 : i1 to i32
    %sign3A_18 = arith.constant 0 : i32
    %sign3A_19 = arith.cmpi slt, %jit3A, %sign3A_18 : i32
    %sign3A_20 = arith.extui %sign3A_19 : i1 to i32
    %sign3A_21 = arith.subi %sign3A_17, %sign3A_20 : i32
    %ne3A = vector.broadcast %sign3A_21 : i32 to vector<1024x8xi32>
    %ne3A_22 = arith.cmpi ne, %sign3A_14, %ne3A : vector<1024x8xi32>
    %rem3A = vector.broadcast %jit3A : i32 to vector<1024x8xi32>
    %rem3A_23 = arith.remsi %iota3A, %rem3A : vector<1024x8xi32>
    %ne3A_24 = arith.constant 0 : i32
    %ne3A_25 = vector.broadcast %ne3A_24 : i32 to vector<1024x8xi32>
    %ne3A_26 = arith.cmpi ne, %rem3A_23, %ne3A_25 : vector<1024x8xi32>
    %and3A = arith.andi %ne3A_22, %ne3A_26 : vector<1024x8xi1>
    %sub3A = arith.constant 1 : i32
    %sub3A_27 = vector.broadcast %sub3A : i32 to vector<1024x8xi32>
    %sub3A_28 = arith.subi %div3A_6, %sub3A_27 : vector<1024x8xi32>
    %select_n3A = arith.select %and3A, %sub3A_28, %div3A_6 : vector<1024x8xi1>, vector<1024x8xi32>
    %eq3A = arith.cmpi eq, %select_n3A, %iota3A_5 : vector<1024x8xi32>
    %jit3A_29 = arith.constant 1.000000e+00 : f32
    %jit3A_30 = arith.constant 0.000000e+00 : f32
    %broadcast_in_dim3A = vector.broadcast %jit3A_29 : f32 to vector<1024x8xf32>
    %broadcast_in_dim3A_31 = vector.broadcast %jit3A_30 : f32 to vector<1024x8xf32>
    %select_n3A_32 = arith.select %eq3A, %broadcast_in_dim3A, %broadcast_in_dim3A_31 : vector<1024x8xi1>, vector<1024x8xf32>
    %dot_general3A = arith.constant dense<0.000000e+00> : vector<1024x128xf32>
    %dot_general3A_33 = tpu.matmul %select_n3A_32, %add3A, %dot_general3A {dimension_numbers = #tpu.dot_dimension_numbers<[1], [0], [0], [1], [0, 0, 1, 1], [], []>, transpose_lhs_hint = false} : vector<1024x8xf32>, vector<8x128xf32>, vector<1024x128xf32> -> vector<1024x128xf32>
    %iota3A_34 = tpu.iota {dimensions = array<i32: 0>} : vector<1024x128xi32>
    %iota3A_35 = tpu.iota {dimensions = array<i32: 1>} : vector<1024x128xi32>
    %jit3A_36 = arith.constant 128 : i32
    %eq3A_37 = arith.constant 0 : i32
    %eq3A_38 = arith.cmpi eq, %jit3A_36, %eq3A_37 : i32
    %jit3A_39 = arith.constant 1 : i32
    %select_n3A_40 = arith.select %eq3A_38, %jit3A_39, %jit3A_36 : i32
    %rem3A_41 = vector.broadcast %select_n3A_40 : i32 to vector<1024x128xi32>
    %rem3A_42 = arith.remsi %iota3A_34, %rem3A_41 : vector<1024x128xi32>
    %ne3A_43 = arith.constant 0 : i32
    %ne3A_44 = vector.broadcast %ne3A_43 : i32 to vector<1024x128xi32>
    %ne3A_45 = arith.cmpi ne, %rem3A_42, %ne3A_44 : vector<1024x128xi32>
    %lt3A = arith.constant 0 : i32
    %lt3A_46 = vector.broadcast %lt3A : i32 to vector<1024x128xi32>
    %lt3A_47 = arith.cmpi slt, %rem3A_42, %lt3A_46 : vector<1024x128xi32>
    %lt3A_48 = arith.constant 0 : i32
    %lt3A_49 = arith.cmpi slt, %select_n3A_40, %lt3A_48 : i32
    %ne3A_50 = vector.broadcast %lt3A_49 : i1 to vector<1024x128xi1>
    %ne3A_51 = vector.broadcast %ne3A_50 : vector<1024x128xi1> to vector<1024x128xi1>
    %ne3A_52 = arith.xori %lt3A_47, %ne3A_51 : vector<1024x128xi1>
    %and3A_53 = arith.andi %ne3A_52, %ne3A_45 : vector<1024x128xi1>
    %add3A_54 = vector.broadcast %select_n3A_40 : i32 to vector<1024x128xi32>
    %add3A_55 = arith.addi %rem3A_42, %add3A_54 : vector<1024x128xi32>
    %select_n3A_56 = arith.select %and3A_53, %add3A_55, %rem3A_42 : vector<1024x128xi1>, vector<1024x128xi32>
    %eq3A_57 = arith.cmpi eq, %select_n3A_56, %iota3A_35 : vector<1024x128xi32>
    %jit3A_58 = arith.constant 0.000000e+00 : f32
    %broadcast_in_dim3A_59 = vector.broadcast %jit3A_58 : f32 to vector<1024x128xf32>
    %select_n3A_60 = arith.select %eq3A_57, %dot_general3A_33, %broadcast_in_dim3A_59 : vector<1024x128xi1>, vector<1024x128xf32>
    %reduce_sum3A = arith.constant dense<0.000000e+00> : vector<1024xf32>
    %reduce_sum3A_61 = vector.multi_reduction <add>, %select_n3A_60, %reduce_sum3A [1] : vector<1024x128xf32> to vector<1024xf32>
    %broadcast_in_dim3A_62 = vector.shape_cast %reduce_sum3A_61 : vector<1024xf32> to vector<1024x1xf32>
    %max3A = arith.constant 9.99999996E-13 : f32
    %max3A_63 = vector.broadcast %max3A : f32 to vector<1024x1xf32>
    %max3A_64 = arith.maximumf %broadcast_in_dim3A_62, %max3A_63 : vector<1024x1xf32>
    %rsqrt3A = math.rsqrt %max3A_64 : vector<1024x1xf32>
    %get3A_65 = arith.constant 0 : index
    %get3A_66 = arith.constant 0 : index
    %get3A_67 = arith.constant 0 : index
    %get3A_68 = vector.load %arg1[%get3A_65, %get3A_66, %get3A_67] : memref<2x1024x128xf32, #tpu.memory_space<vmem>>, vector<1x1024x128xf32>
    %get3A_69 = vector.shape_cast %get3A_68 : vector<1x1024x128xf32> to vector<1024x128xf32>
    %get3A_70 = arith.constant 1 : index
    %get3A_71 = arith.constant 0 : index
    %get3A_72 = arith.constant 0 : index
    %get3A_73 = vector.load %arg1[%get3A_70, %get3A_71, %get3A_72] : memref<2x1024x128xf32, #tpu.memory_space<vmem>>, vector<1x1024x128xf32>
    %get3A_74 = vector.shape_cast %get3A_73 : vector<1x1024x128xf32> to vector<1024x128xf32>
    %add3A_75 = arith.addf %get3A_69, %get3A_74 : vector<1024x128xf32>
    %mul3A = vector.broadcast %rsqrt3A : vector<1024x1xf32> to vector<1024x128xf32>
    %mul3A_76 = arith.mulf %mul3A, %add3A_75 : vector<1024x128xf32>
    %get3A_77 = arith.constant 0 : index
    %get3A_78 = arith.constant 0 : index
    %get3A_79 = vector.load %arg3[%get3A_77, %get3A_78] : memref<1x128xf32, #tpu.memory_space<vmem>>, vector<1x128xf32>
    %add3A_80 = vector.broadcast %get3A_79 : vector<1x128xf32> to vector<1024x128xf32>
    %add3A_81 = arith.addf %mul3A_76, %add3A_80 : vector<1024x128xf32>
    %max3A_82 = arith.constant 0.000000e+00 : f32
    %max3A_83 = vector.broadcast %max3A_82 : f32 to vector<1024x128xf32>
    %max3A_84 = arith.maximumf %add3A_81, %max3A_83 : vector<1024x128xf32>
    %get3A_85 = arith.constant 0 : index
    %get3A_86 = arith.constant 0 : index
    %get3A_87 = vector.load %arg2[%get3A_85, %get3A_86] : memref<1024x128xf32, #tpu.memory_space<vmem>>, vector<1024x128xf32>
    %add3A_88 = arith.addf %max3A_84, %get3A_87 : vector<1024x128xf32>
    %mul3A_89 = arith.constant 1024 : i32
    %mul3A_90 = arith.muli %arg0, %mul3A_89 : i32
    %iota3A_91 = tpu.iota {dimensions = array<i32: 0>} : vector<1024x128xi32>
    %add3A_92 = vector.broadcast %mul3A_90 : i32 to vector<1024x128xi32>
    %add3A_93 = arith.addi %add3A_92, %iota3A_91 : vector<1024x128xi32>
    %lt3A_94 = arith.constant 10000 : i32
    %lt3A_95 = vector.broadcast %lt3A_94 : i32 to vector<1024x128xi32>
    %lt3A_96 = arith.cmpi slt, %add3A_93, %lt3A_95 : vector<1024x128xi32>
    %jit3A_97 = arith.constant 0.000000e+00 : f32
    %broadcast_in_dim3A_98 = vector.broadcast %jit3A_97 : f32 to vector<1024x128xf32>
    %select_n3A_99 = arith.select %lt3A_96, %add3A_88, %broadcast_in_dim3A_98 : vector<1024x128xi1>, vector<1024x128xf32>
    %reduce_sum3A_100 = arith.constant dense<0.000000e+00> : vector<128xf32>
    %reduce_sum3A_101 = vector.multi_reduction <add>, %select_n3A_99, %reduce_sum3A_100 [0] : vector<1024x128xf32> to vector<128xf32>
    %broadcast_in_dim3A_102 = vector.shape_cast %reduce_sum3A_101 : vector<128xf32> to vector<1x128xf32>
    %eq3A_103 = arith.constant 0 : i32
    %eq3A_104 = arith.cmpi eq, %arg0, %eq3A_103 : i32
    %convert_element_type3A = arith.extui %eq3A_104 : i1 to i32
    %cond3A = arith.constant 0 : i32
    %cond3A_105 = arith.cmpi ne, %convert_element_type3A, %cond3A : i32
    scf.if %cond3A_105 {
      %swap3A = arith.constant 0 : index
      %swap3A_115 = arith.constant 0 : index
      %swap3A_116 = vector.load %arg8[%swap3A, %swap3A_115] : memref<1x128xf32, #tpu.memory_space<vmem>>, vector<1x128xf32>
      tpu.vector_store %arg8[%swap3A, %swap3A_115], %broadcast_in_dim3A_102 {strides = array<i32>} : memref<1x128xf32, #tpu.memory_space<vmem>>, vector<1x128xf32>,
    } else {
    }
    %gt3A = arith.constant 0 : i32
    %gt3A_106 = arith.cmpi sgt, %arg0, %gt3A : i32
    %convert_element_type3A_107 = arith.extui %gt3A_106 : i1 to i32
    %cond3A_108 = arith.constant 0 : i32
    %cond3A_109 = arith.cmpi ne, %convert_element_type3A_107, %cond3A_108 : i32
    scf.if %cond3A_109 {
      %get3A_115 = arith.constant 0 : index
      %get3A_116 = arith.constant 0 : index
      %get3A_117 = vector.load %arg8[%get3A_115, %get3A_116] : memref<1x128xf32, #tpu.memory_space<vmem>>, vector<1x128xf32>
      %add3A_118 = arith.addf %get3A_117, %broadcast_in_dim3A_102 : vector<1x128xf32>
      %swap3A = arith.constant 0 : index
      %swap3A_119 = arith.constant 0 : index
      %swap3A_120 = vector.load %arg8[%swap3A, %swap3A_119] : memref<1x128xf32, #tpu.memory_space<vmem>>, vector<1x128xf32>
      tpu.vector_store %arg8[%swap3A, %swap3A_119], %add3A_118 {strides = array<i32>} : memref<1x128xf32, #tpu.memory_space<vmem>>, vector<1x128xf32>,
    } else {
    }
    %eq3A_110 = arith.constant 9 : i32
    %eq3A_111 = arith.cmpi eq, %arg0, %eq3A_110 : i32
    %convert_element_type3A_112 = arith.extui %eq3A_111 : i1 to i32
    %cond3A_113 = arith.constant 0 : i32
    %cond3A_114 = arith.cmpi ne, %convert_element_type3A_112, %cond3A_113 : i32
    scf.if %cond3A_114 {
      %get3A_115 = arith.constant 0 : index
      %get3A_116 = arith.constant 0 : index
      %get3A_117 = vector.load %arg8[%get3A_115, %get3A_116] : memref<1x128xf32, #tpu.memory_space<vmem>>, vector<1x128xf32>
      %mul3A_118 = arith.constant 9.99999974E-5 : f32
      %mul3A_119 = vector.broadcast %mul3A_118 : f32 to vector<1x128xf32>
      %mul3A_120 = arith.mulf %get3A_117, %mul3A_119 : vector<1x128xf32>
      %get3A_121 = arith.constant 0 : index
      %get3A_122 = arith.constant 0 : index
      %get3A_123 = vector.load %arg5[%get3A_121, %get3A_122] : memref<128x128xf32, #tpu.memory_space<vmem>>, vector<128x128xf32>
      %dot_general3A_124 = arith.constant dense<0.000000e+00> : vector<1x128xf32>
      %dot_general3A_125 = tpu.matmul %mul3A_120, %get3A_123, %dot_general3A_124 {dimension_numbers = #tpu.dot_dimension_numbers<[1], [0], [0], [1], [0, 0, 1, 1], [], []>, transpose_lhs_hint = false} : vector<1x128xf32>, vector<128x128xf32>, vector<1x128xf32> -> vector<1x128xf32>
      %get3A_126 = arith.constant 0 : index
      %get3A_127 = arith.constant 0 : index
      %get3A_128 = vector.load %arg6[%get3A_126, %get3A_127] : memref<1x128xf32, #tpu.memory_space<vmem>>, vector<1x128xf32>
      %add3A_129 = arith.addf %dot_general3A_125, %get3A_128 : vector<1x128xf32>
      %swap3A = arith.constant 0 : index
      %swap3A_130 = arith.constant 0 : index
      %swap3A_131 = vector.load %arg7[%swap3A, %swap3A_130] : memref<1x128xf32, #tpu.memory_space<vmem>>, vector<1x128xf32>
      tpu.vector_store %arg7[%swap3A, %swap3A_130], %add3A_129 {strides = array<i32>} : memref<1x128xf32, #tpu.memory_space<vmem>>, vector<1x128xf32>,
    } else {
    }
    return
  }
  func.func @transform_0(%arg0: i32) -> (i32, i32, i32) {
    %c0_i32 = arith.constant 0 : i32
    %c0_i32_0 = arith.constant 0 : i32
    %c0_i32_1 = arith.constant 0 : i32
    return %c0_i32, %arg0, %c0_i32_0 : i32, i32, i32
  }
  func.func @transform_1(%arg0: i32) -> (i32, i32) {
    %c0_i32 = arith.constant 0 : i32
    %c0_i32_0 = arith.constant 0 : i32
    return %arg0, %c0_i32 : i32, i32
  }
  func.func @transform_2(%arg0: i32) -> (i32, i32) {
    %c0_i32 = arith.constant 0 : i32
    %c0_i32_0 = arith.constant 0 : i32
    %c0_i32_1 = arith.constant 0 : i32
    return %c0_i32, %c0_i32_0 : i32, i32
  }
  func.func @transform_3(%arg0: i32) -> (i32, i32, i32) {
    %c0_i32 = arith.constant 0 : i32
    %c0_i32_0 = arith.constant 0 : i32
    %c0_i32_1 = arith.constant 0 : i32
    return %c0_i32, %arg0, %c0_i32_0 : i32, i32, i32
  }
  func.func @transform_4(%arg0: i32) -> (i32, i32) {
    %c0_i32 = arith.constant 0 : i32
    %c0_i32_0 = arith.constant 0 : i32
    %c0_i32_1 = arith.constant 0 : i32
    return %c0_i32, %c0_i32_0 : i32, i32
  }
  func.func @transform_5(%arg0: i32) -> (i32, i32) {
    %c0_i32 = arith.constant 0 : i32
    %c0_i32_0 = arith.constant 0 : i32
    %c0_i32_1 = arith.constant 0 : i32
    return %c0_i32, %c0_i32_0 : i32, i32
  }
  func.func @transform_6(%arg0: i32) -> (i32, i32) {
    %c0_i32 = arith.constant 0 : i32
    %c0_i32_0 = arith.constant 0 : i32
    %c0_i32_1 = arith.constant 0 : i32
    return %c0_i32, %c0_i32_0 : i32, i32
  }
}

</mosaic_0001>

<sc_bundles>
// kernel: kernel.11.cloned.1.call-start
scs
__scs_entry_jumppad:
0x0: {  	(pc) =	sbr.rel $0x88, $3  }
0x1: {  	(tag) =	ssettag $0x0;
	lr =	simm.s32 $0x1  }
0x2: {  	[smem:$0x3F97] =	sst lr;
	_ =	strace $0xD0000000  }
0x3: {  	_ = 	snop  }
0x4: {  	_ = 	snop  }
0x5: {  	_ = 	snop  }
0x6: {  	_ = 	snop  }
0x7: {  	_ = 	snop  }
__scs_overlays_trampoline_lowered:
0x8: {  	[smem:$0x3FA6] =	sst s0  }
0x9: {  	[smem:$0x3FA7] =	sst s1  }
0xa: {  	[smem:$0x3FA8] =	sst s2  }
0xb: {  	[smem:$0x3FA9] =	sst s3  }
0xc: {  	[smem:$0x3FAA] =	sst s4  }
0xd: {  	[smem:$0x3FAB] =	sst s5  }
0xe: {  	[smem:$0x3FAC] =	sst s6  }
0xf: {  	[smem:$0x3FAD] =	sst s7  }
0x10: {  	[smem:$0x3FAE] =	sst s8  }
0x11: {  	[smem:$0x3FAF] =	sst s9;
	s0 =	simm.s32 @!p0 $0x0  }
0x12: {  	s1 =	sld [smem:$0x3F95];
	s0 =	simm.s32 @p0 $0x1  }
0x13: {  	[smem:$0x3FB0] =	sst s0;
	s0 =	simm.s32 @!p1 $0x0  }
0x14: {  	s2 =	sld [smem:$0x3F94];
	s0 =	simm.s32 @p1 $0x1  }
0x15: {  	[smem:$0x3FB1] =	sst s0;
	s0 =	simm.s32 @!p2 $0x0  }
0x16: {  	s3 =	sld [smem:$0x3FDB];
	s0 =	simm.s32 @p2 $0x1  }
0x17: {  	s4 =	simm.s32 $0x1BF5;
	[smem:$0x3FB3] =	sst s0  }
0x18: {  	s0 =	sld [smem:$0x3F96];
	_ =	swait.ge [sflag:s4], $0x0  }
0x19: {  	s7 =	sld [smem:$0x3F97]  }
0x1a: {  	s8 =	sadd.s32 $0xFFFFE003, lr  }
0x1b: {  	s9 =	sadd.s32 $0xFFFFFEF7, lr;
	s5 =	simm.s32 $0xFFFFFFFF;
	p2 =	slt.u32 s8, $0xFFFFF086  }
0x1c: {  	p1 =	slt.u32 s9, $0xF7A;
	s5 =	simm.s32 @!p2 $0x0  }
0x1d: {  	s5 =	simm.s32 @p1 $0x1;
	p0 =	seq.s32 s7, s2  }
0x1e: {  	s7 =	smul.u32 @!p0 $0xF7A, s2;
	p2 =	seq.s32 @!p0 s5, $0x0  }
0x1f: {  	s9 =	smul.u32 $0xF7A, s1;
	s8 =	simm.s32 @!p0 $0x1BF5;
	p2 =	por !p2, p0  }
0x20: {  	[sflag:s8] =	ssyncset.s32 @!p0 $0xFFFFF086;
	s6 =	sadd.s32 @!p0 s3, s7;
	s7 =	simm.s32 @!p0 $0x108  }
0x21: {  	s3 =	sadd.s32 s3, s9;
	s6 =	sadd.s32 @!p0 $0x88, s6;
	s7 =	simm.s32 @p2 $0x1082  }
0x22: {  	[simem:s7], [sflag:s8] =	dma.local @!p0 [hbm:s6], $0xF7A  }
0x23: {  	s9 =	sor.u32 $0xD0000000, s2;
	s6 =	simm.s32 $0x108;
	_ =	swait.ge @!p0 [sflag:s8], $0x0  }
0x24: {  	s3 =	sadd.s32 $0x88, s3;
	s6 =	simm.s32 @!p1 $0x1082;
	[sflag:s4] =	ssyncset.s32 $0xFFFFF086  }
0x25: {  	[simem:s6], [sflag:s4] =	dma.local [hbm:s3], $0xF7A  }
0x26: {  	[smem:$0x3F97] =	sst s1;
	(tag) =	ssettag s2;
	_ =	strace s9  }
0x27: {  	s1 =	sld [smem:$0x3FA7]  }
0x28: {  	s2 =	sld [smem:$0x3FA8]  }
0x29: {  	s4 =	sld [smem:$0x3FAA]  }
0x2a: {  	p0 =	seq.s32 s5, $0x0;
	s5 =	sld [smem:$0x3FAB]  }
0x2b: {  	s6 =	sld [smem:$0x3FAC]  }
0x2c: {  	s7 =	sld [smem:$0x3FAD]  }
0x2d: {  	s3 =	simm.s32 $0x108;
	s8 =	sld [smem:$0x3FAE]  }
0x2e: {  	s3 =	simm.s32 @!p0 $0x1082;
	s9 =	sld [smem:$0x3FAF]  }
0x2f: {  	lr =	sadd.s32 s0, s3;
	s0 =	sld [smem:$0x3FA6]  }
0x30: {  	s3 =	sld [smem:$0x3FA9]  }
0x31: {  	[smem:$0x3FB2] =	sst s10  }
0x32: {  	s10 =	sld [smem:$0x3FB0];
	_ =	sdelay $0x3  }
0x33: {  	p0 =	seq.s32 s10, $0x1;
	s10 =	sld [smem:$0x3FB2];
	_ =	sdelay $0x3  }
0x34: {  	[smem:$0x3FB2] =	sst s10  }
0x35: {  	s10 =	sld [smem:$0x3FB1];
	_ =	sdelay $0x3  }
0x36: {  	p1 =	seq.s32 s10, $0x1;
	s10 =	sld [smem:$0x3FB2];
	_ =	sdelay $0x3  }
0x37: {  	[smem:$0x3FB2] =	sst s10  }
0x38: {  	s10 =	sld [smem:$0x3FB3]  }
0x39: {  	_ = 	snop;
	(pc) =	sbr.ind lr, $3  }
0x3a: {  	_ = 	snop  }
0x3b: {  	_ = 	snop  }
0x3c: {  	p2 =	seq.s32 s10, $0x1;
	s10 =	sld [smem:$0x3FB2]  }
0x3d: {  	_ =	shalt  }
0x3e: {  	_ =	shalt  }
0x3f: {  	_ =	shalt  }
0x40: {  	_ =	shalt  }
0x41: {  	_ =	shalt  }
0x42: {  	_ =	shalt  }
0x43: {  	_ =	shalt  }
0x44: {  	_ =	shalt  }
0x45: {  	_ =	shalt  }
0x46: {  	_ =	shalt  }
0x47: {  	_ =	shalt  }
0x48: {  	_ =	shalt  }
0x49: {  	_ =	shalt  }
0x4a: {  	_ =	shalt  }
0x4b: {  	_ =	shalt  }
0x4c: {  	_ =	shalt  }
0x4d: {  	_ =	shalt  }
0x4e: {  	_ =	shalt  }
0x4f: {  	_ =	shalt  }
0x50: {  	_ =	shalt  }
0x51: {  	_ =	shalt  }
0x52: {  	_ =	shalt  }
0x53: {  	_ =	shalt  }
0x54: {  	_ =	shalt  }
0x55: {  	_ =	shalt  }
0x56: {  	_ =	shalt  }
0x57: {  	_ =	shalt  }
0x58: {  	_ =	shalt  }
0x59: {  	_ =	shalt  }
0x5a: {  	_ =	shalt  }
0x5b: {  	_ =	shalt  }
0x5c: {  	_ =	shalt  }
0x5d: {  	_ =	shalt  }
0x5e: {  	_ =	shalt  }
0x5f: {  	_ =	shalt  }
0x60: {  	_ =	shalt  }
0x61: {  	_ =	shalt  }
0x62: {  	_ =	shalt  }
0x63: {  	_ =	shalt  }
0x64: {  	_ =	shalt  }
0x65: {  	_ =	shalt  }
0x66: {  	_ =	shalt  }
0x67: {  	_ =	shalt  }
0x68: {  	_ =	shalt  }
0x69: {  	_ =	shalt  }
0x6a: {  	_ =	shalt  }
0x6b: {  	_ =	shalt  }
0x6c: {  	_ =	shalt  }
0x6d: {  	_ =	shalt  }
0x6e: {  	_ =	shalt  }
0x6f: {  	_ =	shalt  }
0x70: {  	_ =	shalt  }
0x71: {  	_ =	shalt  }
0x72: {  	_ =	shalt  }
0x73: {  	_ =	shalt  }
0x74: {  	_ =	shalt  }
0x75: {  	_ =	shalt  }
0x76: {  	_ =	shalt  }
0x77: {  	_ =	shalt  }
0x78: {  	_ =	shalt  }
0x79: {  	_ =	shalt  }
0x7a: {  	_ =	shalt  }
0x7b: {  	_ =	shalt  }
0x7c: {  	_ =	shalt  }
0x7d: {  	_ =	shalt  }
0x7e: {  	_ =	shalt  }
0x7f: {  	_ =	shalt  }
0x80: {  	_ =	shalt  }
0x81: {  	_ =	shalt  }
0x82: {  	_ =	shalt  }
0x83: {  	_ =	shalt  }
0x84: {  	_ =	shalt  }
0x85: {  	_ =	shalt  }
0x86: {  	_ =	shalt  }
0x87: {  	_ =	shalt  }
.Lfunc_end0:
.L_simem_size_0:
called_computation.1_lowered:
.L_overlay_start_0:
0x88: {  	s2 =	sld [smem:$0x3FD9]  }
0x89: {  	s3 =	sld [smem:$0x3FFE];
	_ =	sdelay $0x1  }
0x8a: {  	s1 =	srdreg.scid  }
0x8b: {  	s0 =	sand.u32 $0x1, s1  }
0x8c: {  	s16 =	sshll.u32 s0, $0xA;
	s2 =	sadd.s32 s3, s2  }
0x8d: {  	s2 =	sadd.s32 s2, s16  }
0x8e: {  	[smem:$0x3FBE] =	sst s2  }
0x8f: {  	_ = 	snop  }
0x90: {  	(tm) =	ssettm $0x1  }
0x91: {  	s17 =	sld [smem:$0x3FFB];
	_ =	sdelay $0x3  }
0x92: {  	_ =	strace s17  }
0x93: {  	s2 =	sld [smem:$0x3FFC];
	_ =	sdelay $0x3  }
0x94: {  	_ =	strace s2  }
0x95: {  	s2 =	sld [smem:$0x3FFD];
	_ =	sdelay $0x3  }
0x96: {  	_ =	strace s2  }
0x97: {  	_ =	strace $0x8FFFFFFF  }
0x98: {  	s18 =	sld [smem:$0x3FDB];
	_ =	sdelay $0x1  }
0x99: {  	s19 =	simm.s32 $_scs_section_size  }
0x9a: {  	s4 =	simm.s32 $_size__tile_overlayer_lowered;
	s5 =	simm.s32 $_tile_overlayer_lowered  }
0x9b: {  	s22 =	simm.s32 $0x1BFF;
	s21 =	sshll.u32 s5, $0x1;
	s2 =	sadd.s32 s19, s18  }
0x9c: {  	s6 =	simm.s32 $0x0;
	s20 =	sshll.u32 s4, $0x1;
	s4 =	sadd.s32 s21, s2  }
0x9d: {  	[timem:s6], [sflag:s22] =	dma.local [hbm:s4], s20  }
0x9e: {  	_ =	swait.ge [sflag:s22], s20  }
0x9f: {  	s3 =	ssub.s32 $0x0, s20;
	[sflag:s22] =	ssyncset.done $0x0  }
0xa0: {  	[sflag:s22] =	ssyncadd.s32 s3;
	_ =	sdelay $0x1  }
0xa1: {  	s23 =	simm.s32 $0x1B8B  }
0xa2: {  	_ =	swait.ge [sflag:s23], $0x1  }
0xa3: {  	[sflag:s23] =	ssyncset.done $0x0  }
0xa4: {  	s25 =	simm.s32 $0x1B8E;
	s24 =	sld [smem:$0x3FFE];
	[sflag:s23] =	ssyncadd.s32 $0xFFFFFFFF  }
0xa5: {  	s26 =	simm.s32 $execute0_lowered;
	[smem:$0x3FD2] =	sst s25  }
0xa6: {  	s4 =	sshll.u32 s26, $0x1;
	_ =	strace $0x80000049;
	[dreg:$0x1] =	wrdreg $0xFFFFFFFF  }
0xa7: {  	s28 =	simm.s32 $_size_execute0_lowered;
	s2 =	sadd.s32 s2, s4;
	[dreg:$0x0] =	wrdreg $0x0  }
0xa8: {  	s4 =	sshll.u32 s28, $0x1;
	[dreg:$0x2] =	wrdreg s2  }
0xa9: {  	[dreg:$0x3] =	wrdreg s4  }
0xaa: {  	[dreg:$0x4] =	wrdreg $0xC0  }
0xab: {  	_ =	task [dreg:s6], $0x5FFFF  }
0xac: {  	[dreg:$0x1] =	wrdreg $0xFFFFFFFF  }
0xad: {  	[dreg:$0x0] =	wrdreg $0x60  }
0xae: {  	[dreg:$0x2] =	wrdreg s24  }
0xaf: {  	[dreg:$0x3] =	wrdreg $0x0  }
0xb0: {  	[dreg:$0x4] =	wrdreg $0x9  }
0xb1: {  	_ =	task.clear_ibuf [dreg:s6], $0x5FFFF;
	_ =	strace $0x90000049  }
0xb2: {  	s29 =	simm.s32 $0x9;
	_ =	strace $0x8000004B  }
0xb3: {  	_ =	swait.ge [sflag:s29], $0x1  }
0xb4: {  	[sflag:s29] =	ssyncadd.s32 $0xFFFFFFFF  }
0xb5: {  	_ =	strace $0x9000004B  }
0xb6: {  	_ =	sfence  }
0xb7: {  	s30 =	sld [smem:$0x0];
	_ =	sdelay $0x2  }
0xb8: {  	s31 =	sshll.u32 s1, $0xD;
	s1 =	sshrl.u32 s1, $0x2  }
0xb9: {  	s3 =	sand.u32 $0x4000, s31;
	s1 =	sadd.s32 s1, s30  }
0xba: {  	s0 =	sor.u32 s3, s0;
	s1 =	sshll.u32 s1, $0x11  }
0xbb: {  	s0 =	sor.u32 s1, s0  }
0xbc: {  	s0 =	sadd.s32 $0x8F2B, s0  }
0xbd: {  	[sflag:s0] =	ssyncadd.remote.s32 $0x1  }
0xbe: {  	_ =	sfence.sel $0xFFFF  }
0xbf: {  	[dreg:$0x0] =	wrdreg $0xFFFFFFFF;
	(pc) =	sbr.abs _section_cstart, $3  }
0xc0: {  	[dreg:$0x1] =	wrdreg $0xFFFFFFFF  }
0xc1: {  	_ =	task.clear_ibuf [dreg:s6], $0x2FFFF;
	_ =	strace $0x9FFFFFFF  }
0xc2: {  	(tm) =	ssettm $0x7FFFFFFF  }
0xc3: {  	_ =	shalt  }
tec
execute0_lowered:
.L_overlay_start_1:
0x0: {  	(tag) =	ssettag $0x1  }
0x1: {  	s5 =	rddreg [dreg:$0x0]  }
0x2: {  	s2 =	rddreg [dreg:$0x1]  }
0x3: {  	s0 =	rddreg [dreg:$0x2];
	s1 =	stileid.u32  }
0x4: {  	s3 =	simm.s32 $0x0;
	s7 =	srdreg.scid;
	s6 =	smul.u32 $0xA20, s1  }
0x5: {  	[smem:$0x7FF] =	sst s3;
	s9 =	smul.u32 $0x280, s1  }
0x6: {  	s4 =	sadd.s32 $0x17600, s5;
	s12 =	sand.u32 $0x1, s7;
	s19 =	smul.u32 $0x50000, s1  }
0x7: {  	s14 =	sadd.s32 $0x3F600, s5;
	_ =	strace $0x8000004A;
	s17 =	smul.u32 $0x2800, s12  }
0x8: {  	s18 =	ssub.s32 $0x2, s12;
	s30 =	smul.u32 $0x510, s12;
	s16 =	sadd.s32 s6, s5  }
0x9: {  	s20 =	sshrl.u32 s18, $0x1;
	s10 =	sadd.s32 $0x80, s9;
	s21 =	sshrl.u32 s19, $0x2  }
0xa: {  	s11 =	sadd.s32 $0x100, s9;
	s13 =	sadd.s32 $0x180, s9;
	s15 =	ssub.s32 s18, s20  }
0xb: {  	s22 =	sshll.u32 s10, $0x7;
	s5 =	sadd.s32 s21, s2;
	s23 =	sshll.u32 s11, $0x7  }
0xc: {  	s8 =	sshll.u32 s13, $0x7;
	s18 =	sadd.s32 $0x200, s9;
	s20 =	sadd.s32 s9, s17  }
0xd: {  	s25 =	sadd.s32 s17, s10;
	s28 =	sadd.s32 s17, s11;
	s13 =	sadd.s32 s17, s13  }
0xe: {  	s31 =	sadd.s32 s30, s16;
	s21 =	simm.s32 $0x14080;
	s6 =	sadd.s32 s22, s2  }
0xf: {  	s7 =	sadd.s32 s23, s2;
	s8 =	sadd.s32 s8, s2;
	s19 =	sshll.u32 s18, $0x7  }
0x10: {  	s24 =	sshll.u32 s20, $0x4;
	s26 =	sshll.u32 s25, $0x4;
	s29 =	sshll.u32 s28, $0x4  }
0x11: {  	s13 =	sshll.u32 s13, $0x4;
	s17 =	sadd.s32 s17, s18;
	s15 =	smax.u32 s15, $0x1  }
0x12: {  	s16 =	sadd.s32 $0x2800, s31;
	s18 =	simm.s32 $0x14100;
	s20 =	simm.s32 $0x14000  }
0x13: {  	s22 =	simm.s32 $0x80;
	s23 =	simm.s32 $0x1;
	s9 =	sadd.s32 s19, s2  }
0x14: {  	s10 =	sadd.s32 s14, s24;
	s11 =	sadd.s32 s14, s26;
	s12 =	sadd.s32 s14, s29  }
0x15: {  	s13 =	sadd.s32 s14, s13;
	s17 =	sshll.u32 s17, $0x4;
	s19 =	simm.s32 $0x2  }
0x16: {  	v0 =	vimm.f32 $0.0e+00;
	s24 =	simm.s32 $0x0;
	s14 =	sadd.s32 s14, s17;
	s17 =	sadd.s32 $0xD400, s31  }
.LBB2_1:
0x17: {  	s25 =	sand.u32 $0xFE00, s3  }
0x18: {  	s26 =	sand.u32 $0x70, s3;
	s28 =	sshrl.u32 s25, $0x2  }
0x19: {  	s25 =	simm.s32 $0x40;
	s28 =	sor.u32 s26, s28;
	s26 =	simm.s32 $0x0  }
.LBB2_2:
0x1a: {  	p0 =	sne.s32 s25, $0xFFC0  }
0x1b: {  	[tilespmem:s28+$0x14100] =	vst v0;
	s26 =	sadd.s32 $0x10, s26;
	s28 =	smov.u32 s25;
	s25 =	sadd.s32 $0x40, s25  }
.Ltmp0:
0x1c: {  	(pc) =	sbr.rel @p0 .LBB2_2-.Ltmp0, $4  }
0x1d: {  	_ = 	snop  }
0x1e: {  	s28 =	sand.u32 $0xFE00, s28  }
0x1f: {  	s29 =	sand.u32 $0x70, s26;
	s28 =	sshrl.u32 s28, $0x2  }
0x20: {  	s28 =	sor.u32 s29, s28  }
0x21: {  	[tilespmem:s28+$0x14100] =	vst v0  }
0x22: {  	[spmem:s5] =	stream.linear.scatter [tilespmem:s18], [sflag:$0x2], $0x4000, $0x38;
	[tilespmem:$0x18100] =	vst v63  }
0x23: {  	_ =	swait.ge [sflag:s19], $0x4000  }
0x24: {  	[sflag:s19] =	ssyncset.done $0x0  }
0x25: {  	[sflag:s19] =	ssyncadd.s32 $0xFFFFC000  }
0x26: {  	[spmem:s6] =	stream.linear.scatter [tilespmem:s18], [sflag:$0x2], $0x4000, $0x38;
	[tilespmem:$0x18100] =	vst v63  }
0x27: {  	_ =	swait.ge [sflag:s19], $0x4000  }
0x28: {  	[sflag:s19] =	ssyncset.done $0x0  }
0x29: {  	[sflag:s19] =	ssyncadd.s32 $0xFFFFC000  }
0x2a: {  	[spmem:s7] =	stream.linear.scatter [tilespmem:s18], [sflag:$0x2], $0x4000, $0x38;
	[tilespmem:$0x18100] =	vst v63  }
0x2b: {  	_ =	swait.ge [sflag:s19], $0x4000  }
0x2c: {  	[sflag:s19] =	ssyncset.done $0x0  }
0x2d: {  	[sflag:s19] =	ssyncadd.s32 $0xFFFFC000  }
0x2e: {  	[spmem:s8] =	stream.linear.scatter [tilespmem:s18], [sflag:$0x2], $0x4000, $0x38;
	[tilespmem:$0x18100] =	vst v63  }
0x2f: {  	_ =	swait.ge [sflag:s19], $0x4000  }
0x30: {  	[sflag:s19] =	ssyncset.done $0x0  }
0x31: {  	[sflag:s19] =	ssyncadd.s32 $0xFFFFC000  }
0x32: {  	[spmem:s9] =	stream.linear.scatter [tilespmem:s18], [sflag:$0x2], $0x4000, $0x38;
	[tilespmem:$0x18100] =	vst v63  }
0x33: {  	_ =	swait.ge [sflag:s19], $0x4000  }
0x34: {  	[sflag:s19] =	ssyncset.done $0x0  }
0x35: {  	[sflag:s19] =	ssyncadd.s32 $0xFFFFC000  }
0x36: {  	s25 =	sadd.s32 $0x0, s17;
	[bflag:$0x0] =	sbarrier.arrive $0xFFFF  }
0x37: {  	[tilespmem:s20], [sflag:$0x2] =	stream.linear.gather [hbm4b:s25+s3], $0x80, $0x38;
	[tilespmem:$0x18100] =	vst v63  }
0x38: {  	_ =	swait.ge [sflag:s19], $0x80  }
0x39: {  	[sflag:s19] =	ssyncset.done $0x0  }
0x3a: {  	s31 =	sadd.s32 $0x0, s16;
	[sflag:s19] =	ssyncadd.s32 $0xFFFFFF80  }
0x3b: {  	[tilespmem:s21], [sflag:$0x2] =	stream.linear.gather [hbm4b:s31+s3], $0x80, $0x38;
	[tilespmem:$0x18100] =	vst v63  }
0x3c: {  	_ =	swait.ge [sflag:s19], $0x80  }
0x3d: {  	[sflag:s19] =	ssyncset.done $0x0  }
0x3e: {  	[sflag:s19] =	ssyncadd.s32 $0xFFFFFF80  }
0x3f: {  	[tilespmem:s18], [sflag:$0x1] =	stream.indirect.gather [hbm4b:s4+s22], $0x80, s20, s22, $0xb8;
	[tilespmem:$0x18100] =	vst v63  }
0x40: {  	_ =	swait.ge [sflag:s23], $0x4000  }
0x41: {  	[sflag:s23] =	ssyncset.done $0x0  }
0x42: {  	[sflag:s23] =	ssyncadd.s32 $0xFFFFC000  }
0x43: {  	[spmem:s2] =	stream.indirect.scatter.add.f32 [tilespmem:s18], [sflag:$0x2], $0x80, s21, s22, $0xb8;
	[tilespmem:$0x18100] =	vst v63  }
0x44: {  	_ =	swait.ge [sflag:s19], $0x4000  }
0x45: {  	s26 =	simm.s32 $0x20;
	s25 =	simm.s32 $0x10;
	[sflag:s19] =	ssyncset.done $0x0  }
.LBB2_4:
0x46: {  	s28 =	sadd.s32 s25, s17  }
0x47: {  	[sflag:s19] =	ssyncadd.s32 $0xFFFFC000;
	s29 =	smov.u32 s26;
	s30 =	sadd.s32 $0x10, s26  }
0x48: {  	[tilespmem:s20], [sflag:$0x2] =	stream.linear.gather [hbm4b:s28+s3], $0x80, $0x38;
	[tilespmem:$0x18100] =	vst v63  }
0x49: {  	p0 =	sne.s32 s26, $0x500;
	_ =	swait.ge [sflag:s19], $0x80  }
0x4a: {  	[sflag:s19] =	ssyncset.done $0x0  }
0x4b: {  	s26 =	sadd.s32 s25, s16;
	s25 =	smov.u32 s29;
	[sflag:s19] =	ssyncadd.s32 $0xFFFFFF80  }
0x4c: {  	[tilespmem:s21], [sflag:$0x2] =	stream.linear.gather [hbm4b:s26+s3], $0x80, $0x38;
	[tilespmem:$0x18100] =	vst v63  }
0x4d: {  	_ =	swait.ge [sflag:s19], $0x80  }
0x4e: {  	[sflag:s19] =	ssyncset.done $0x0  }
0x4f: {  	[sflag:s19] =	ssyncadd.s32 $0xFFFFFF80  }
0x50: {  	[tilespmem:s18], [sflag:$0x1] =	stream.indirect.gather [hbm4b:s4+s22], $0x80, s20, s22, $0xb8;
	[tilespmem:$0x18100] =	vst v63  }
0x51: {  	_ =	swait.ge [sflag:s23], $0x4000  }
.Ltmp1:
0x52: {  	[sflag:s23] =	ssyncset.done $0x0;
	(pc) =	sbr.rel @p0 .LBB2_4-.Ltmp1, $4  }
0x53: {  	[sflag:s23] =	ssyncadd.s32 $0xFFFFC000  }
0x54: {  	[spmem:s2] =	stream.indirect.scatter.add.f32 [tilespmem:s18], [sflag:$0x2], $0x80, s21, s22, $0xb8;
	[tilespmem:$0x18100] =	vst v63  }
0x55: {  	_ =	swait.ge [sflag:s19], $0x4000  }
0x56: {  	s26 =	smov.u32 s30;
	[sflag:s19] =	ssyncset.done $0x0  }
0x57: {  	s26 =	sadd.s32 s25, s17;
	[sflag:s19] =	ssyncadd.s32 $0xFFFFC000  }
0x58: {  	[tilespmem:s20], [sflag:$0x2] =	stream.linear.gather [hbm4b:s26+s3], $0x80, $0x38;
	[tilespmem:$0x18100] =	vst v63  }
0x59: {  	_ =	swait.ge [sflag:s19], $0x80  }
0x5a: {  	[sflag:s19] =	ssyncset.done $0x0  }
0x5b: {  	s31 =	sadd.s32 s25, s16;
	[sflag:s19] =	ssyncadd.s32 $0xFFFFFF80  }
0x5c: {  	[tilespmem:s21], [sflag:$0x2] =	stream.linear.gather [hbm4b:s31+s3], $0x80, $0x38;
	[tilespmem:$0x18100] =	vst v63  }
0x5d: {  	_ =	swait.ge [sflag:s19], $0x80  }
0x5e: {  	[sflag:s19] =	ssyncset.done $0x0  }
0x5f: {  	[sflag:s19] =	ssyncadd.s32 $0xFFFFFF80  }
0x60: {  	[tilespmem:s18], [sflag:$0x1] =	stream.indirect.gather [hbm4b:s4+s22], $0x80, s20, s22, $0xb8;
	[tilespmem:$0x18100] =	vst v63  }
0x61: {  	_ =	swait.ge [sflag:s23], $0x4000  }
0x62: {  	[sflag:s23] =	ssyncset.done $0x0  }
0x63: {  	[sflag:s23] =	ssyncadd.s32 $0xFFFFC000  }
0x64: {  	[spmem:s2] =	stream.indirect.scatter.add.f32 [tilespmem:s18], [sflag:$0x2], $0x80, s21, s22, $0xb8;
	[tilespmem:$0x18100] =	vst v63  }
0x65: {  	_ =	swait.ge [sflag:s19], $0x4000  }
0x66: {  	[sflag:s19] =	ssyncset.done $0x0  }
0x67: {  	[sflag:s19] =	ssyncadd.s32 $0xFFFFC000  }
0x68: {  	[bflag:$0x0] =	sbarrier.arrive $0xFFFF  }
0x69: {  	[tilespmem:s18], [sflag:$0x2] =	stream.linear.gather [spmem:s5], $0x4000, $0x38;
	[tilespmem:$0x18100] =	vst v63  }
0x6a: {  	_ =	swait.ge [sflag:s19], $0x4000  }
0x6b: {  	[sflag:s19] =	ssyncset.done $0x0  }
0x6c: {  	[sflag:s19] =	ssyncadd.s32 $0xFFFFC000  }
0x6d: {  	[hbm4b:s10+s3] =	stream.linear.scatter [tilespmem:s18], [sflag:$0x2], $0x4000, $0x38;
	[tilespmem:$0x18100] =	vst v63  }
0x6e: {  	_ =	swait.ge [sflag:s19], $0x4000  }
0x6f: {  	[sflag:s19] =	ssyncset.done $0x0  }
0x70: {  	[sflag:s19] =	ssyncadd.s32 $0xFFFFC000  }
0x71: {  	[tilespmem:s18], [sflag:$0x2] =	stream.linear.gather [spmem:s6], $0x4000, $0x38;
	[tilespmem:$0x18100] =	vst v63  }
0x72: {  	_ =	swait.ge [sflag:s19], $0x4000  }
0x73: {  	[sflag:s19] =	ssyncset.done $0x0  }
0x74: {  	[sflag:s19] =	ssyncadd.s32 $0xFFFFC000  }
0x75: {  	[hbm4b:s11+s3] =	stream.linear.scatter [tilespmem:s18], [sflag:$0x2], $0x4000, $0x38;
	[tilespmem:$0x18100] =	vst v63  }
0x76: {  	_ =	swait.ge [sflag:s19], $0x4000  }
0x77: {  	[sflag:s19] =	ssyncset.done $0x0  }
0x78: {  	[sflag:s19] =	ssyncadd.s32 $0xFFFFC000  }
0x79: {  	[tilespmem:s18], [sflag:$0x2] =	stream.linear.gather [spmem:s7], $0x4000, $0x38;
	[tilespmem:$0x18100] =	vst v63  }
0x7a: {  	_ =	swait.ge [sflag:s19], $0x4000  }
0x7b: {  	[sflag:s19] =	ssyncset.done $0x0  }
0x7c: {  	[sflag:s19] =	ssyncadd.s32 $0xFFFFC000  }
0x7d: {  	[hbm4b:s12+s3] =	stream.linear.scatter [tilespmem:s18], [sflag:$0x2], $0x4000, $0x38;
	[tilespmem:$0x18100] =	vst v63  }
0x7e: {  	_ =	swait.ge [sflag:s19], $0x4000  }
0x7f: {  	[sflag:s19] =	ssyncset.done $0x0  }
0x80: {  	[sflag:s19] =	ssyncadd.s32 $0xFFFFC000  }
0x81: {  	[tilespmem:s18], [sflag:$0x2] =	stream.linear.gather [spmem:s8], $0x4000, $0x38;
	[tilespmem:$0x18100] =	vst v63  }
0x82: {  	_ =	swait.ge [sflag:s19], $0x4000  }
0x83: {  	[sflag:s19] =	ssyncset.done $0x0  }
0x84: {  	[sflag:s19] =	ssyncadd.s32 $0xFFFFC000  }
0x85: {  	[hbm4b:s13+s3] =	stream.linear.scatter [tilespmem:s18], [sflag:$0x2], $0x4000, $0x38;
	[tilespmem:$0x18100] =	vst v63  }
0x86: {  	_ =	swait.ge [sflag:s19], $0x4000  }
0x87: {  	[sflag:s19] =	ssyncset.done $0x0  }
0x88: {  	[sflag:s19] =	ssyncadd.s32 $0xFFFFC000  }
0x89: {  	[tilespmem:s18], [sflag:$0x2] =	stream.linear.gather [spmem:s9], $0x4000, $0x38;
	[tilespmem:$0x18100] =	vst v63  }
0x8a: {  	s24 =	sadd.s32 $0x1, s24;
	_ =	swait.ge [sflag:s19], $0x4000  }
0x8b: {  	p0 =	sne.s32 s24, s15;
	[sflag:s19] =	ssyncset.done $0x0  }
.Ltmp2:
0x8c: {  	[sflag:s19] =	ssyncadd.s32 $0xFFFFC000;
	(pc) =	sbr.rel @p0 .LBB2_1-.Ltmp2, $4  }
0x8d: {  	[hbm4b:s14+s3] =	stream.linear.scatter [tilespmem:s18], [sflag:$0x2], $0x4000, $0x38;
	[tilespmem:$0x18100] =	vst v63  }
0x8e: {  	_ =	swait.ge [sflag:s19], $0x4000  }
0x8f: {  	[sflag:s19] =	ssyncset.done $0x0  }
0x90: {  	[sflag:s19] =	ssyncadd.s32 $0xFFFFC000  }
0x91: {  	_ =	sfence.sel $0x180000  }
0x92: {  	[bflag:$0x0] =	sbarrier.arrive $0xFFFF  }
0x93: {  	p0 =	sne.s32 s1, $0x0;
	_ =	strace $0x9000004A  }
0x94: {  	s0 =	sadd.s32 @!p0 $0x100000, s0;
	[bflag:$0x2] =	sbarrier.arrive $0xFFFF  }
0x95: {  	[sflag:s0] =	ssyncadd.tile.s32 @!p0 $0x1;
	_ =	shalt  }
.Lfunc_end2:
_tile_overlayer_lowered:
.L_overlay_start_2:
0x96: {  	(tag) =	ssettag $0x2  }
0x97: {  	s0 =	rddreg [dreg:$0x0];
	s2 =	stileid.u32  }
0x98: {  	s1 =	rddreg [dreg:$0x1];
	p0 =	sne.s32 s2, $0x0  }
0x99: {  	s3 =	rddreg [dreg:$0x2];
	[bflag:$0x3] =	sbarrier.arrive $0xFFFF;
	s2 =	simm.s32 @!p0 $0x1C02  }
0x9a: {  	[timem:s3], [sflag:s2] =	dma.local @!p0 [hbm:s0], s1  }
0x9b: {  	s0 =	simm.s32 @!p0 $0x2  }
0x9c: {  	_ =	swait.ge @!p0 [sflag:s0], s1  }
0x9d: {  	s1 =	ssub.s32 @!p0 $0x0, s1;
	[sflag:s0] =	ssyncset.done @!p0 $0x0  }
0x9e: {  	[sflag:s0] =	ssyncadd.s32 @!p0 s1  }
0x9f: {  	[bflag:$0x3] =	sbarrier.arrive $0xFFFF  }
0xa0: {  	_ =	shalt  }

// kernel: kernel.14.cloned.1.call-start
scs
__scs_entry_jumppad:
0x0: {  	(pc) =	sbr.rel $0x88, $3  }
0x1: {  	(tag) =	ssettag $0x0;
	lr =	simm.s32 $0x1  }
0x2: {  	[smem:$0x3F97] =	sst lr;
	_ =	strace $0xD0000000  }
0x3: {  	_ = 	snop  }
0x4: {  	_ = 	snop  }
0x5: {  	_ = 	snop  }
0x6: {  	_ = 	snop  }
0x7: {  	_ = 	snop  }
__scs_overlays_trampoline_lowered:
0x8: {  	[smem:$0x3FA6] =	sst s0  }
0x9: {  	[smem:$0x3FA7] =	sst s1  }
0xa: {  	[smem:$0x3FA8] =	sst s2  }
0xb: {  	[smem:$0x3FA9] =	sst s3  }
0xc: {  	[smem:$0x3FAA] =	sst s4  }
0xd: {  	[smem:$0x3FAB] =	sst s5  }
0xe: {  	[smem:$0x3FAC] =	sst s6  }
0xf: {  	[smem:$0x3FAD] =	sst s7  }
0x10: {  	[smem:$0x3FAE] =	sst s8  }
0x11: {  	[smem:$0x3FAF] =	sst s9;
	s0 =	simm.s32 @!p0 $0x0  }
0x12: {  	s1 =	sld [smem:$0x3F95];
	s0 =	simm.s32 @p0 $0x1  }
0x13: {  	[smem:$0x3FB0] =	sst s0;
	s0 =	simm.s32 @!p1 $0x0  }
0x14: {  	s2 =	sld [smem:$0x3F94];
	s0 =	simm.s32 @p1 $0x1  }
0x15: {  	[smem:$0x3FB1] =	sst s0;
	s0 =	simm.s32 @!p2 $0x0  }
0x16: {  	s3 =	sld [smem:$0x3FDB];
	s0 =	simm.s32 @p2 $0x1  }
0x17: {  	s4 =	simm.s32 $0x1BF5;
	[smem:$0x3FB3] =	sst s0  }
0x18: {  	s0 =	sld [smem:$0x3F96];
	_ =	swait.ge [sflag:s4], $0x0  }
0x19: {  	s7 =	sld [smem:$0x3F97]  }
0x1a: {  	s8 =	sadd.s32 $0xFFFFE003, lr  }
0x1b: {  	s9 =	sadd.s32 $0xFFFFFEF7, lr;
	s5 =	simm.s32 $0xFFFFFFFF;
	p2 =	slt.u32 s8, $0xFFFFF086  }
0x1c: {  	p1 =	slt.u32 s9, $0xF7A;
	s5 =	simm.s32 @!p2 $0x0  }
0x1d: {  	s5 =	simm.s32 @p1 $0x1;
	p0 =	seq.s32 s7, s2  }
0x1e: {  	s7 =	smul.u32 @!p0 $0xF7A, s2;
	p2 =	seq.s32 @!p0 s5, $0x0  }
0x1f: {  	s9 =	smul.u32 $0xF7A, s1;
	s8 =	simm.s32 @!p0 $0x1BF5;
	p2 =	por !p2, p0  }
0x20: {  	[sflag:s8] =	ssyncset.s32 @!p0 $0xFFFFF086;
	s6 =	sadd.s32 @!p0 s3, s7;
	s7 =	simm.s32 @!p0 $0x108  }
0x21: {  	s3 =	sadd.s32 s3, s9;
	s6 =	sadd.s32 @!p0 $0x88, s6;
	s7 =	simm.s32 @p2 $0x1082  }
0x22: {  	[simem:s7], [sflag:s8] =	dma.local @!p0 [hbm:s6], $0xF7A  }
0x23: {  	s9 =	sor.u32 $0xD0000000, s2;
	s6 =	simm.s32 $0x108;
	_ =	swait.ge @!p0 [sflag:s8], $0x0  }
0x24: {  	s3 =	sadd.s32 $0x88, s3;
	s6 =	simm.s32 @!p1 $0x1082;
	[sflag:s4] =	ssyncset.s32 $0xFFFFF086  }
0x25: {  	[simem:s6], [sflag:s4] =	dma.local [hbm:s3], $0xF7A  }
0x26: {  	[smem:$0x3F97] =	sst s1;
	(tag) =	ssettag s2;
	_ =	strace s9  }
0x27: {  	s1 =	sld [smem:$0x3FA7]  }
0x28: {  	s2 =	sld [smem:$0x3FA8]  }
0x29: {  	s4 =	sld [smem:$0x3FAA]  }
0x2a: {  	p0 =	seq.s32 s5, $0x0;
	s5 =	sld [smem:$0x3FAB]  }
0x2b: {  	s6 =	sld [smem:$0x3FAC]  }
0x2c: {  	s7 =	sld [smem:$0x3FAD]  }
0x2d: {  	s3 =	simm.s32 $0x108;
	s8 =	sld [smem:$0x3FAE]  }
0x2e: {  	s3 =	simm.s32 @!p0 $0x1082;
	s9 =	sld [smem:$0x3FAF]  }
0x2f: {  	lr =	sadd.s32 s0, s3;
	s0 =	sld [smem:$0x3FA6]  }
0x30: {  	s3 =	sld [smem:$0x3FA9]  }
0x31: {  	[smem:$0x3FB2] =	sst s10  }
0x32: {  	s10 =	sld [smem:$0x3FB0];
	_ =	sdelay $0x3  }
0x33: {  	p0 =	seq.s32 s10, $0x1;
	s10 =	sld [smem:$0x3FB2];
	_ =	sdelay $0x3  }
0x34: {  	[smem:$0x3FB2] =	sst s10  }
0x35: {  	s10 =	sld [smem:$0x3FB1];
	_ =	sdelay $0x3  }
0x36: {  	p1 =	seq.s32 s10, $0x1;
	s10 =	sld [smem:$0x3FB2];
	_ =	sdelay $0x3  }
0x37: {  	[smem:$0x3FB2] =	sst s10  }
0x38: {  	s10 =	sld [smem:$0x3FB3]  }
0x39: {  	_ = 	snop;
	(pc) =	sbr.ind lr, $3  }
0x3a: {  	_ = 	snop  }
0x3b: {  	_ = 	snop  }
0x3c: {  	p2 =	seq.s32 s10, $0x1;
	s10 =	sld [smem:$0x3FB2]  }
0x3d: {  	_ =	shalt  }
0x3e: {  	_ =	shalt  }
0x3f: {  	_ =	shalt  }
0x40: {  	_ =	shalt  }
0x41: {  	_ =	shalt  }
0x42: {  	_ =	shalt  }
0x43: {  	_ =	shalt  }
0x44: {  	_ =	shalt  }
0x45: {  	_ =	shalt  }
0x46: {  	_ =	shalt  }
0x47: {  	_ =	shalt  }
0x48: {  	_ =	shalt  }
0x49: {  	_ =	shalt  }
0x4a: {  	_ =	shalt  }
0x4b: {  	_ =	shalt  }
0x4c: {  	_ =	shalt  }
0x4d: {  	_ =	shalt  }
0x4e: {  	_ =	shalt  }
0x4f: {  	_ =	shalt  }
0x50: {  	_ =	shalt  }
0x51: {  	_ =	shalt  }
0x52: {  	_ =	shalt  }
0x53: {  	_ =	shalt  }
0x54: {  	_ =	shalt  }
0x55: {  	_ =	shalt  }
0x56: {  	_ =	shalt  }
0x57: {  	_ =	shalt  }
0x58: {  	_ =	shalt  }
0x59: {  	_ =	shalt  }
0x5a: {  	_ =	shalt  }
0x5b: {  	_ =	shalt  }
0x5c: {  	_ =	shalt  }
0x5d: {  	_ =	shalt  }
0x5e: {  	_ =	shalt  }
0x5f: {  	_ =	shalt  }
0x60: {  	_ =	shalt  }
0x61: {  	_ =	shalt  }
0x62: {  	_ =	shalt  }
0x63: {  	_ =	shalt  }
0x64: {  	_ =	shalt  }
0x65: {  	_ =	shalt  }
0x66: {  	_ =	shalt  }
0x67: {  	_ =	shalt  }
0x68: {  	_ =	shalt  }
0x69: {  	_ =	shalt  }
0x6a: {  	_ =	shalt  }
0x6b: {  	_ =	shalt  }
0x6c: {  	_ =	shalt  }
0x6d: {  	_ =	shalt  }
0x6e: {  	_ =	shalt  }
0x6f: {  	_ =	shalt  }
0x70: {  	_ =	shalt  }
0x71: {  	_ =	shalt  }
0x72: {  	_ =	shalt  }
0x73: {  	_ =	shalt  }
0x74: {  	_ =	shalt  }
0x75: {  	_ =	shalt  }
0x76: {  	_ =	shalt  }
0x77: {  	_ =	shalt  }
0x78: {  	_ =	shalt  }
0x79: {  	_ =	shalt  }
0x7a: {  	_ =	shalt  }
0x7b: {  	_ =	shalt  }
0x7c: {  	_ =	shalt  }
0x7d: {  	_ =	shalt  }
0x7e: {  	_ =	shalt  }
0x7f: {  	_ =	shalt  }
0x80: {  	_ =	shalt  }
0x81: {  	_ =	shalt  }
0x82: {  	_ =	shalt  }
0x83: {  	_ =	shalt  }
0x84: {  	_ =	shalt  }
0x85: {  	_ =	shalt  }
0x86: {  	_ =	shalt  }
0x87: {  	_ =	shalt  }
.Lfunc_end0:
.L_simem_size_0:
called_computation.2_lowered:
.L_overlay_start_0:
0x88: {  	s2 =	sld [smem:$0x3FD9]  }
0x89: {  	s3 =	sld [smem:$0x3FFE];
	_ =	sdelay $0x1  }
0x8a: {  	s1 =	srdreg.scid  }
0x8b: {  	s0 =	sand.u32 $0x1, s1  }
0x8c: {  	s16 =	sshll.u32 s0, $0xA;
	s2 =	sadd.s32 s3, s2  }
0x8d: {  	s2 =	sadd.s32 s2, s16  }
0x8e: {  	[smem:$0x3FBE] =	sst s2  }
0x8f: {  	_ = 	snop  }
0x90: {  	(tm) =	ssettm $0x1  }
0x91: {  	s17 =	sld [smem:$0x3FFB];
	_ =	sdelay $0x3  }
0x92: {  	_ =	strace s17  }
0x93: {  	s2 =	sld [smem:$0x3FFC];
	_ =	sdelay $0x3  }
0x94: {  	_ =	strace s2  }
0x95: {  	s2 =	sld [smem:$0x3FFD];
	_ =	sdelay $0x3  }
0x96: {  	_ =	strace s2  }
0x97: {  	_ =	strace $0x8FFFFFFF  }
0x98: {  	s18 =	sld [smem:$0x3FDB];
	_ =	sdelay $0x1  }
0x99: {  	s19 =	simm.s32 $_scs_section_size  }
0x9a: {  	s4 =	simm.s32 $_size__tile_overlayer_lowered;
	s5 =	simm.s32 $_tile_overlayer_lowered  }
0x9b: {  	s22 =	simm.s32 $0x1BFF;
	s21 =	sshll.u32 s5, $0x1;
	s2 =	sadd.s32 s19, s18  }
0x9c: {  	s6 =	simm.s32 $0x0;
	s20 =	sshll.u32 s4, $0x1;
	s4 =	sadd.s32 s21, s2  }
0x9d: {  	[timem:s6], [sflag:s22] =	dma.local [hbm:s4], s20  }
0x9e: {  	_ =	swait.ge [sflag:s22], s20  }
0x9f: {  	s3 =	ssub.s32 $0x0, s20;
	[sflag:s22] =	ssyncset.done $0x0  }
0xa0: {  	[sflag:s22] =	ssyncadd.s32 s3;
	_ =	sdelay $0x1  }
0xa1: {  	s23 =	simm.s32 $0x1B8B  }
0xa2: {  	_ =	swait.ge [sflag:s23], $0x1  }
0xa3: {  	[sflag:s23] =	ssyncset.done $0x0  }
0xa4: {  	s25 =	simm.s32 $0x1B8E;
	s24 =	sld [smem:$0x3FFE];
	[sflag:s23] =	ssyncadd.s32 $0xFFFFFFFF  }
0xa5: {  	s26 =	simm.s32 $execute0_lowered;
	[smem:$0x3FD2] =	sst s25  }
0xa6: {  	s4 =	sshll.u32 s26, $0x1;
	_ =	strace $0x8000004C;
	[dreg:$0x1] =	wrdreg $0xFFFFFFFF  }
0xa7: {  	s28 =	simm.s32 $_size_execute0_lowered;
	s2 =	sadd.s32 s2, s4;
	[dreg:$0x0] =	wrdreg $0x0  }
0xa8: {  	s4 =	sshll.u32 s28, $0x1;
	[dreg:$0x2] =	wrdreg s2  }
0xa9: {  	[dreg:$0x3] =	wrdreg s4  }
0xaa: {  	[dreg:$0x4] =	wrdreg $0xC0  }
0xab: {  	_ =	task [dreg:s6], $0x5FFFF  }
0xac: {  	[dreg:$0x1] =	wrdreg $0xFFFFFFFF  }
0xad: {  	[dreg:$0x0] =	wrdreg $0x60  }
0xae: {  	[dreg:$0x2] =	wrdreg s24  }
0xaf: {  	[dreg:$0x3] =	wrdreg $0x0  }
0xb0: {  	[dreg:$0x4] =	wrdreg $0x9  }
0xb1: {  	_ =	task.clear_ibuf [dreg:s6], $0x5FFFF;
	_ =	strace $0x9000004C  }
0xb2: {  	s29 =	simm.s32 $0x9;
	_ =	strace $0x8000004E  }
0xb3: {  	_ =	swait.ge [sflag:s29], $0x1  }
0xb4: {  	[sflag:s29] =	ssyncadd.s32 $0xFFFFFFFF  }
0xb5: {  	_ =	strace $0x9000004E  }
0xb6: {  	_ =	sfence  }
0xb7: {  	s30 =	sld [smem:$0x0];
	_ =	sdelay $0x2  }
0xb8: {  	s31 =	sshll.u32 s1, $0xD;
	s1 =	sshrl.u32 s1, $0x2  }
0xb9: {  	s3 =	sand.u32 $0x4000, s31;
	s1 =	sadd.s32 s1, s30  }
0xba: {  	s0 =	sor.u32 s3, s0;
	s1 =	sshll.u32 s1, $0x11  }
0xbb: {  	s0 =	sor.u32 s1, s0  }
0xbc: {  	s0 =	sadd.s32 $0x8F2B, s0  }
0xbd: {  	[sflag:s0] =	ssyncadd.remote.s32 $0x1  }
0xbe: {  	_ =	sfence.sel $0xFFFF  }
0xbf: {  	[dreg:$0x0] =	wrdreg $0xFFFFFFFF;
	(pc) =	sbr.abs _section_cstart, $3  }
0xc0: {  	[dreg:$0x1] =	wrdreg $0xFFFFFFFF  }
0xc1: {  	_ =	task.clear_ibuf [dreg:s6], $0x2FFFF;
	_ =	strace $0x9FFFFFFF  }
0xc2: {  	(tm) =	ssettm $0x7FFFFFFF  }
0xc3: {  	_ =	shalt  }
tec
execute0_lowered:
.L_overlay_start_1:
0x0: {  	(tag) =	ssettag $0x1  }
0x1: {  	s5 =	rddreg [dreg:$0x0]  }
0x2: {  	s2 =	rddreg [dreg:$0x1]  }
0x3: {  	s0 =	rddreg [dreg:$0x2];
	s1 =	stileid.u32  }
0x4: {  	s3 =	simm.s32 $0x0;
	s7 =	srdreg.scid;
	s6 =	smul.u32 $0xA20, s1  }
0x5: {  	[smem:$0x7FF] =	sst s3;
	s9 =	smul.u32 $0x280, s1  }
0x6: {  	s4 =	sadd.s32 $0x17600, s5;
	s12 =	sand.u32 $0x1, s7;
	s19 =	smul.u32 $0x50000, s1  }
0x7: {  	s14 =	sadd.s32 $0x3F600, s5;
	_ =	strace $0x8000004D;
	s17 =	smul.u32 $0x2800, s12  }
0x8: {  	s18 =	ssub.s32 $0x2, s12;
	s30 =	smul.u32 $0x510, s12;
	s16 =	sadd.s32 s6, s5  }
0x9: {  	s20 =	sshrl.u32 s18, $0x1;
	s10 =	sadd.s32 $0x80, s9;
	s21 =	sshrl.u32 s19, $0x2  }
0xa: {  	s11 =	sadd.s32 $0x100, s9;
	s13 =	sadd.s32 $0x180, s9;
	s15 =	ssub.s32 s18, s20  }
0xb: {  	s22 =	sshll.u32 s10, $0x7;
	s5 =	sadd.s32 s21, s2;
	s23 =	sshll.u32 s11, $0x7  }
0xc: {  	s8 =	sshll.u32 s13, $0x7;
	s18 =	sadd.s32 $0x200, s9;
	s20 =	sadd.s32 s9, s17  }
0xd: {  	s25 =	sadd.s32 s17, s10;
	s28 =	sadd.s32 s17, s11;
	s13 =	sadd.s32 s17, s13  }
0xe: {  	s31 =	sadd.s32 s30, s16;
	s21 =	simm.s32 $0x14080;
	s6 =	sadd.s32 s22, s2  }
0xf: {  	s7 =	sadd.s32 s23, s2;
	s8 =	sadd.s32 s8, s2;
	s19 =	sshll.u32 s18, $0x7  }
0x10: {  	s24 =	sshll.u32 s20, $0x4;
	s26 =	sshll.u32 s25, $0x4;
	s29 =	sshll.u32 s28, $0x4  }
0x11: {  	s13 =	sshll.u32 s13, $0x4;
	s17 =	sadd.s32 s17, s18;
	s15 =	smax.u32 s15, $0x1  }
0x12: {  	s16 =	sadd.s32 $0x2800, s31;
	s18 =	simm.s32 $0x14100;
	s20 =	simm.s32 $0x14000  }
0x13: {  	s22 =	simm.s32 $0x80;
	s23 =	simm.s32 $0x1;
	s9 =	sadd.s32 s19, s2  }
0x14: {  	s10 =	sadd.s32 s14, s24;
	s11 =	sadd.s32 s14, s26;
	s12 =	sadd.s32 s14, s29  }
0x15: {  	s13 =	sadd.s32 s14, s13;
	s17 =	sshll.u32 s17, $0x4;
	s19 =	simm.s32 $0x2  }
0x16: {  	v0 =	vimm.f32 $0.0e+00;
	s24 =	simm.s32 $0x0;
	s14 =	sadd.s32 s14, s17;
	s17 =	sadd.s32 $0xD400, s31  }
.LBB2_1:
0x17: {  	s25 =	sand.u32 $0xFE00, s3  }
0x18: {  	s26 =	sand.u32 $0x70, s3;
	s28 =	sshrl.u32 s25, $0x2  }
0x19: {  	s25 =	simm.s32 $0x40;
	s28 =	sor.u32 s26, s28;
	s26 =	simm.s32 $0x0  }
.LBB2_2:
0x1a: {  	p0 =	sne.s32 s25, $0xFFC0  }
0x1b: {  	[tilespmem:s28+$0x14100] =	vst v0;
	s26 =	sadd.s32 $0x10, s26;
	s28 =	smov.u32 s25;
	s25 =	sadd.s32 $0x40, s25  }
.Ltmp0:
0x1c: {  	(pc) =	sbr.rel @p0 .LBB2_2-.Ltmp0, $4  }
0x1d: {  	_ = 	snop  }
0x1e: {  	s28 =	sand.u32 $0xFE00, s28  }
0x1f: {  	s29 =	sand.u32 $0x70, s26;
	s28 =	sshrl.u32 s28, $0x2  }
0x20: {  	s28 =	sor.u32 s29, s28  }
0x21: {  	[tilespmem:s28+$0x14100] =	vst v0  }
0x22: {  	[spmem:s5] =	stream.linear.scatter [tilespmem:s18], [sflag:$0x2], $0x4000, $0x38;
	[tilespmem:$0x18100] =	vst v63  }
0x23: {  	_ =	swait.ge [sflag:s19], $0x4000  }
0x24: {  	[sflag:s19] =	ssyncset.done $0x0  }
0x25: {  	[sflag:s19] =	ssyncadd.s32 $0xFFFFC000  }
0x26: {  	[spmem:s6] =	stream.linear.scatter [tilespmem:s18], [sflag:$0x2], $0x4000, $0x38;
	[tilespmem:$0x18100] =	vst v63  }
0x27: {  	_ =	swait.ge [sflag:s19], $0x4000  }
0x28: {  	[sflag:s19] =	ssyncset.done $0x0  }
0x29: {  	[sflag:s19] =	ssyncadd.s32 $0xFFFFC000  }
0x2a: {  	[spmem:s7] =	stream.linear.scatter [tilespmem:s18], [sflag:$0x2], $0x4000, $0x38;
	[tilespmem:$0x18100] =	vst v63  }
0x2b: {  	_ =	swait.ge [sflag:s19], $0x4000  }
0x2c: {  	[sflag:s19] =	ssyncset.done $0x0  }
0x2d: {  	[sflag:s19] =	ssyncadd.s32 $0xFFFFC000  }
0x2e: {  	[spmem:s8] =	stream.linear.scatter [tilespmem:s18], [sflag:$0x2], $0x4000, $0x38;
	[tilespmem:$0x18100] =	vst v63  }
0x2f: {  	_ =	swait.ge [sflag:s19], $0x4000  }
0x30: {  	[sflag:s19] =	ssyncset.done $0x0  }
0x31: {  	[sflag:s19] =	ssyncadd.s32 $0xFFFFC000  }
0x32: {  	[spmem:s9] =	stream.linear.scatter [tilespmem:s18], [sflag:$0x2], $0x4000, $0x38;
	[tilespmem:$0x18100] =	vst v63  }
0x33: {  	_ =	swait.ge [sflag:s19], $0x4000  }
0x34: {  	[sflag:s19] =	ssyncset.done $0x0  }
0x35: {  	[sflag:s19] =	ssyncadd.s32 $0xFFFFC000  }
0x36: {  	s25 =	sadd.s32 $0x0, s17;
	[bflag:$0x0] =	sbarrier.arrive $0xFFFF  }
0x37: {  	[tilespmem:s20], [sflag:$0x2] =	stream.linear.gather [hbm4b:s25+s3], $0x80, $0x38;
	[tilespmem:$0x18100] =	vst v63  }
0x38: {  	_ =	swait.ge [sflag:s19], $0x80  }
0x39: {  	[sflag:s19] =	ssyncset.done $0x0  }
0x3a: {  	s31 =	sadd.s32 $0x0, s16;
	[sflag:s19] =	ssyncadd.s32 $0xFFFFFF80  }
0x3b: {  	[tilespmem:s21], [sflag:$0x2] =	stream.linear.gather [hbm4b:s31+s3], $0x80, $0x38;
	[tilespmem:$0x18100] =	vst v63  }
0x3c: {  	_ =	swait.ge [sflag:s19], $0x80  }
0x3d: {  	[sflag:s19] =	ssyncset.done $0x0  }
0x3e: {  	[sflag:s19] =	ssyncadd.s32 $0xFFFFFF80  }
0x3f: {  	[tilespmem:s18], [sflag:$0x1] =	stream.indirect.gather [hbm4b:s4+s22], $0x80, s20, s22, $0xb8;
	[tilespmem:$0x18100] =	vst v63  }
0x40: {  	_ =	swait.ge [sflag:s23], $0x4000  }
0x41: {  	[sflag:s23] =	ssyncset.done $0x0  }
0x42: {  	[sflag:s23] =	ssyncadd.s32 $0xFFFFC000  }
0x43: {  	[spmem:s2] =	stream.indirect.scatter.add.f32 [tilespmem:s18], [sflag:$0x2], $0x80, s21, s22, $0xb8;
	[tilespmem:$0x18100] =	vst v63  }
0x44: {  	_ =	swait.ge [sflag:s19], $0x4000  }
0x45: {  	s26 =	simm.s32 $0x20;
	s25 =	simm.s32 $0x10;
	[sflag:s19] =	ssyncset.done $0x0  }
.LBB2_4:
0x46: {  	s28 =	sadd.s32 s25, s17  }
0x47: {  	[sflag:s19] =	ssyncadd.s32 $0xFFFFC000;
	s29 =	smov.u32 s26;
	s30 =	sadd.s32 $0x10, s26  }
0x48: {  	[tilespmem:s20], [sflag:$0x2] =	stream.linear.gather [hbm4b:s28+s3], $0x80, $0x38;
	[tilespmem:$0x18100] =	vst v63  }
0x49: {  	p0 =	sne.s32 s26, $0x500;
	_ =	swait.ge [sflag:s19], $0x80  }
0x4a: {  	[sflag:s19] =	ssyncset.done $0x0  }
0x4b: {  	s26 =	sadd.s32 s25, s16;
	s25 =	smov.u32 s29;
	[sflag:s19] =	ssyncadd.s32 $0xFFFFFF80  }
0x4c: {  	[tilespmem:s21], [sflag:$0x2] =	stream.linear.gather [hbm4b:s26+s3], $0x80, $0x38;
	[tilespmem:$0x18100] =	vst v63  }
0x4d: {  	_ =	swait.ge [sflag:s19], $0x80  }
0x4e: {  	[sflag:s19] =	ssyncset.done $0x0  }
0x4f: {  	[sflag:s19] =	ssyncadd.s32 $0xFFFFFF80  }
0x50: {  	[tilespmem:s18], [sflag:$0x1] =	stream.indirect.gather [hbm4b:s4+s22], $0x80, s20, s22, $0xb8;
	[tilespmem:$0x18100] =	vst v63  }
0x51: {  	_ =	swait.ge [sflag:s23], $0x4000  }
.Ltmp1:
0x52: {  	[sflag:s23] =	ssyncset.done $0x0;
	(pc) =	sbr.rel @p0 .LBB2_4-.Ltmp1, $4  }
0x53: {  	[sflag:s23] =	ssyncadd.s32 $0xFFFFC000  }
0x54: {  	[spmem:s2] =	stream.indirect.scatter.add.f32 [tilespmem:s18], [sflag:$0x2], $0x80, s21, s22, $0xb8;
	[tilespmem:$0x18100] =	vst v63  }
0x55: {  	_ =	swait.ge [sflag:s19], $0x4000  }
0x56: {  	s26 =	smov.u32 s30;
	[sflag:s19] =	ssyncset.done $0x0  }
0x57: {  	s26 =	sadd.s32 s25, s17;
	[sflag:s19] =	ssyncadd.s32 $0xFFFFC000  }
0x58: {  	[tilespmem:s20], [sflag:$0x2] =	stream.linear.gather [hbm4b:s26+s3], $0x80, $0x38;
	[tilespmem:$0x18100] =	vst v63  }
0x59: {  	_ =	swait.ge [sflag:s19], $0x80  }
0x5a: {  	[sflag:s19] =	ssyncset.done $0x0  }
0x5b: {  	s31 =	sadd.s32 s25, s16;
	[sflag:s19] =	ssyncadd.s32 $0xFFFFFF80  }
0x5c: {  	[tilespmem:s21], [sflag:$0x2] =	stream.linear.gather [hbm4b:s31+s3], $0x80, $0x38;
	[tilespmem:$0x18100] =	vst v63  }
0x5d: {  	_ =	swait.ge [sflag:s19], $0x80  }
0x5e: {  	[sflag:s19] =	ssyncset.done $0x0  }
0x5f: {  	[sflag:s19] =	ssyncadd.s32 $0xFFFFFF80  }
0x60: {  	[tilespmem:s18], [sflag:$0x1] =	stream.indirect.gather [hbm4b:s4+s22], $0x80, s20, s22, $0xb8;
	[tilespmem:$0x18100] =	vst v63  }
0x61: {  	_ =	swait.ge [sflag:s23], $0x4000  }
0x62: {  	[sflag:s23] =	ssyncset.done $0x0  }
0x63: {  	[sflag:s23] =	ssyncadd.s32 $0xFFFFC000  }
0x64: {  	[spmem:s2] =	stream.indirect.scatter.add.f32 [tilespmem:s18], [sflag:$0x2], $0x80, s21, s22, $0xb8;
	[tilespmem:$0x18100] =	vst v63  }
0x65: {  	_ =	swait.ge [sflag:s19], $0x4000  }
0x66: {  	[sflag:s19] =	ssyncset.done $0x0  }
0x67: {  	[sflag:s19] =	ssyncadd.s32 $0xFFFFC000  }
0x68: {  	[bflag:$0x0] =	sbarrier.arrive $0xFFFF  }
0x69: {  	[tilespmem:s18], [sflag:$0x2] =	stream.linear.gather [spmem:s5], $0x4000, $0x38;
	[tilespmem:$0x18100] =	vst v63  }
0x6a: {  	_ =	swait.ge [sflag:s19], $0x4000  }
0x6b: {  	[sflag:s19] =	ssyncset.done $0x0  }
0x6c: {  	[sflag:s19] =	ssyncadd.s32 $0xFFFFC000  }
0x6d: {  	[hbm4b:s10+s3] =	stream.linear.scatter [tilespmem:s18], [sflag:$0x2], $0x4000, $0x38;
	[tilespmem:$0x18100] =	vst v63  }
0x6e: {  	_ =	swait.ge [sflag:s19], $0x4000  }
0x6f: {  	[sflag:s19] =	ssyncset.done $0x0  }
0x70: {  	[sflag:s19] =	ssyncadd.s32 $0xFFFFC000  }
0x71: {  	[tilespmem:s18], [sflag:$0x2] =	stream.linear.gather [spmem:s6], $0x4000, $0x38;
	[tilespmem:$0x18100] =	vst v63  }
0x72: {  	_ =	swait.ge [sflag:s19], $0x4000  }
0x73: {  	[sflag:s19] =	ssyncset.done $0x0  }
0x74: {  	[sflag:s19] =	ssyncadd.s32 $0xFFFFC000  }
0x75: {  	[hbm4b:s11+s3] =	stream.linear.scatter [tilespmem:s18], [sflag:$0x2], $0x4000, $0x38;
	[tilespmem:$0x18100] =	vst v63  }
0x76: {  	_ =	swait.ge [sflag:s19], $0x4000  }
0x77: {  	[sflag:s19] =	ssyncset.done $0x0  }
0x78: {  	[sflag:s19] =	ssyncadd.s32 $0xFFFFC000  }
0x79: {  	[tilespmem:s18], [sflag:$0x2] =	stream.linear.gather [spmem:s7], $0x4000, $0x38;
	[tilespmem:$0x18100] =	vst v63  }
0x7a: {  	_ =	swait.ge [sflag:s19], $0x4000  }
0x7b: {  	[sflag:s19] =	ssyncset.done $0x0  }
0x7c: {  	[sflag:s19] =	ssyncadd.s32 $0xFFFFC000  }
0x7d: {  	[hbm4b:s12+s3] =	stream.linear.scatter [tilespmem:s18], [sflag:$0x2], $0x4000, $0x38;
	[tilespmem:$0x18100] =	vst v63  }
0x7e: {  	_ =	swait.ge [sflag:s19], $0x4000  }
0x7f: {  	[sflag:s19] =	ssyncset.done $0x0  }
0x80: {  	[sflag:s19] =	ssyncadd.s32 $0xFFFFC000  }
0x81: {  	[tilespmem:s18], [sflag:$0x2] =	stream.linear.gather [spmem:s8], $0x4000, $0x38;
	[tilespmem:$0x18100] =	vst v63  }
0x82: {  	_ =	swait.ge [sflag:s19], $0x4000  }
0x83: {  	[sflag:s19] =	ssyncset.done $0x0  }
0x84: {  	[sflag:s19] =	ssyncadd.s32 $0xFFFFC000  }
0x85: {  	[hbm4b:s13+s3] =	stream.linear.scatter [tilespmem:s18], [sflag:$0x2], $0x4000, $0x38;
	[tilespmem:$0x18100] =	vst v63  }
0x86: {  	_ =	swait.ge [sflag:s19], $0x4000  }
0x87: {  	[sflag:s19] =	ssyncset.done $0x0  }
0x88: {  	[sflag:s19] =	ssyncadd.s32 $0xFFFFC000  }
0x89: {  	[tilespmem:s18], [sflag:$0x2] =	stream.linear.gather [spmem:s9], $0x4000, $0x38;
	[tilespmem:$0x18100] =	vst v63  }
0x8a: {  	s24 =	sadd.s32 $0x1, s24;
	_ =	swait.ge [sflag:s19], $0x4000  }
0x8b: {  	p0 =	sne.s32 s24, s15;
	[sflag:s19] =	ssyncset.done $0x0  }
.Ltmp2:
0x8c: {  	[sflag:s19] =	ssyncadd.s32 $0xFFFFC000;
	(pc) =	sbr.rel @p0 .LBB2_1-.Ltmp2, $4  }
0x8d: {  	[hbm4b:s14+s3] =	stream.linear.scatter [tilespmem:s18], [sflag:$0x2], $0x4000, $0x38;
	[tilespmem:$0x18100] =	vst v63  }
0x8e: {  	_ =	swait.ge [sflag:s19], $0x4000  }
0x8f: {  	[sflag:s19] =	ssyncset.done $0x0  }
0x90: {  	[sflag:s19] =	ssyncadd.s32 $0xFFFFC000  }
0x91: {  	_ =	sfence.sel $0x180000  }
0x92: {  	[bflag:$0x0] =	sbarrier.arrive $0xFFFF  }
0x93: {  	p0 =	sne.s32 s1, $0x0;
	_ =	strace $0x9000004D  }
0x94: {  	s0 =	sadd.s32 @!p0 $0x100000, s0;
	[bflag:$0x2] =	sbarrier.arrive $0xFFFF  }
0x95: {  	[sflag:s0] =	ssyncadd.tile.s32 @!p0 $0x1;
	_ =	shalt  }
.Lfunc_end2:
_tile_overlayer_lowered:
.L_overlay_start_2:
0x96: {  	(tag) =	ssettag $0x2  }
0x97: {  	s0 =	rddreg [dreg:$0x0];
	s2 =	stileid.u32  }
0x98: {  	s1 =	rddreg [dreg:$0x1];
	p0 =	sne.s32 s2, $0x0  }
0x99: {  	s3 =	rddreg [dreg:$0x2];
	[bflag:$0x3] =	sbarrier.arrive $0xFFFF;
	s2 =	simm.s32 @!p0 $0x1C02  }
0x9a: {  	[timem:s3], [sflag:s2] =	dma.local @!p0 [hbm:s0], s1  }
0x9b: {  	s0 =	simm.s32 @!p0 $0x2  }
0x9c: {  	_ =	swait.ge @!p0 [sflag:s0], s1  }
0x9d: {  	s1 =	ssub.s32 @!p0 $0x0, s1;
	[sflag:s0] =	ssyncset.done @!p0 $0x0  }
0x9e: {  	[sflag:s0] =	ssyncadd.s32 @!p0 s1  }
0x9f: {  	[bflag:$0x3] =	sbarrier.arrive $0xFFFF  }
0xa0: {  	_ =	shalt  }

// kernel: kernel.8.cloned.1.call-start
scs
__scs_entry_jumppad:
0x0: {  	(pc) =	sbr.rel $0x88, $3  }
0x1: {  	(tag) =	ssettag $0x0;
	lr =	simm.s32 $0x1  }
0x2: {  	[smem:$0x3F97] =	sst lr;
	_ =	strace $0xD0000000  }
0x3: {  	_ = 	snop  }
0x4: {  	_ = 	snop  }
0x5: {  	_ = 	snop  }
0x6: {  	_ = 	snop  }
0x7: {  	_ = 	snop  }
__scs_overlays_trampoline_lowered:
0x8: {  	[smem:$0x3FA6] =	sst s0  }
0x9: {  	[smem:$0x3FA7] =	sst s1  }
0xa: {  	[smem:$0x3FA8] =	sst s2  }
0xb: {  	[smem:$0x3FA9] =	sst s3  }
0xc: {  	[smem:$0x3FAA] =	sst s4  }
0xd: {  	[smem:$0x3FAB] =	sst s5  }
0xe: {  	[smem:$0x3FAC] =	sst s6  }
0xf: {  	[smem:$0x3FAD] =	sst s7  }
0x10: {  	[smem:$0x3FAE] =	sst s8  }
0x11: {  	[smem:$0x3FAF] =	sst s9;
	s0 =	simm.s32 @!p0 $0x0  }
0x12: {  	s1 =	sld [smem:$0x3F95];
	s0 =	simm.s32 @p0 $0x1  }
0x13: {  	[smem:$0x3FB0] =	sst s0;
	s0 =	simm.s32 @!p1 $0x0  }
0x14: {  	s2 =	sld [smem:$0x3F94];
	s0 =	simm.s32 @p1 $0x1  }
0x15: {  	[smem:$0x3FB1] =	sst s0;
	s0 =	simm.s32 @!p2 $0x0  }
0x16: {  	s3 =	sld [smem:$0x3FDB];
	s0 =	simm.s32 @p2 $0x1  }
0x17: {  	s4 =	simm.s32 $0x1BF5;
	[smem:$0x3FB3] =	sst s0  }
0x18: {  	s0 =	sld [smem:$0x3F96];
	_ =	swait.ge [sflag:s4], $0x0  }
0x19: {  	s7 =	sld [smem:$0x3F97]  }
0x1a: {  	s8 =	sadd.s32 $0xFFFFE003, lr  }
0x1b: {  	s9 =	sadd.s32 $0xFFFFFEF7, lr;
	s5 =	simm.s32 $0xFFFFFFFF;
	p2 =	slt.u32 s8, $0xFFFFF086  }
0x1c: {  	p1 =	slt.u32 s9, $0xF7A;
	s5 =	simm.s32 @!p2 $0x0  }
0x1d: {  	s5 =	simm.s32 @p1 $0x1;
	p0 =	seq.s32 s7, s2  }
0x1e: {  	s7 =	smul.u32 @!p0 $0xF7A, s2;
	p2 =	seq.s32 @!p0 s5, $0x0  }
0x1f: {  	s9 =	smul.u32 $0xF7A, s1;
	s8 =	simm.s32 @!p0 $0x1BF5;
	p2 =	por !p2, p0  }
0x20: {  	[sflag:s8] =	ssyncset.s32 @!p0 $0xFFFFF086;
	s6 =	sadd.s32 @!p0 s3, s7;
	s7 =	simm.s32 @!p0 $0x108  }
0x21: {  	s3 =	sadd.s32 s3, s9;
	s6 =	sadd.s32 @!p0 $0x88, s6;
	s7 =	simm.s32 @p2 $0x1082  }
0x22: {  	[simem:s7], [sflag:s8] =	dma.local @!p0 [hbm:s6], $0xF7A  }
0x23: {  	s9 =	sor.u32 $0xD0000000, s2;
	s6 =	simm.s32 $0x108;
	_ =	swait.ge @!p0 [sflag:s8], $0x0  }
0x24: {  	s3 =	sadd.s32 $0x88, s3;
	s6 =	simm.s32 @!p1 $0x1082;
	[sflag:s4] =	ssyncset.s32 $0xFFFFF086  }
0x25: {  	[simem:s6], [sflag:s4] =	dma.local [hbm:s3], $0xF7A  }
0x26: {  	[smem:$0x3F97] =	sst s1;
	(tag) =	ssettag s2;
	_ =	strace s9  }
0x27: {  	s1 =	sld [smem:$0x3FA7]  }
0x28: {  	s2 =	sld [smem:$0x3FA8]  }
0x29: {  	s4 =	sld [smem:$0x3FAA]  }
0x2a: {  	p0 =	seq.s32 s5, $0x0;
	s5 =	sld [smem:$0x3FAB]  }
0x2b: {  	s6 =	sld [smem:$0x3FAC]  }
0x2c: {  	s7 =	sld [smem:$0x3FAD]  }
0x2d: {  	s3 =	simm.s32 $0x108;
	s8 =	sld [smem:$0x3FAE]  }
0x2e: {  	s3 =	simm.s32 @!p0 $0x1082;
	s9 =	sld [smem:$0x3FAF]  }
0x2f: {  	lr =	sadd.s32 s0, s3;
	s0 =	sld [smem:$0x3FA6]  }
0x30: {  	s3 =	sld [smem:$0x3FA9]  }
0x31: {  	[smem:$0x3FB2] =	sst s10  }
0x32: {  	s10 =	sld [smem:$0x3FB0];
	_ =	sdelay $0x3  }
0x33: {  	p0 =	seq.s32 s10, $0x1;
	s10 =	sld [smem:$0x3FB2];
	_ =	sdelay $0x3  }
0x34: {  	[smem:$0x3FB2] =	sst s10  }
0x35: {  	s10 =	sld [smem:$0x3FB1];
	_ =	sdelay $0x3  }
0x36: {  	p1 =	seq.s32 s10, $0x1;
	s10 =	sld [smem:$0x3FB2];
	_ =	sdelay $0x3  }
0x37: {  	[smem:$0x3FB2] =	sst s10  }
0x38: {  	s10 =	sld [smem:$0x3FB3]  }
0x39: {  	_ = 	snop;
	(pc) =	sbr.ind lr, $3  }
0x3a: {  	_ = 	snop  }
0x3b: {  	_ = 	snop  }
0x3c: {  	p2 =	seq.s32 s10, $0x1;
	s10 =	sld [smem:$0x3FB2]  }
0x3d: {  	_ =	shalt  }
0x3e: {  	_ =	shalt  }
0x3f: {  	_ =	shalt  }
0x40: {  	_ =	shalt  }
0x41: {  	_ =	shalt  }
0x42: {  	_ =	shalt  }
0x43: {  	_ =	shalt  }
0x44: {  	_ =	shalt  }
0x45: {  	_ =	shalt  }
0x46: {  	_ =	shalt  }
0x47: {  	_ =	shalt  }
0x48: {  	_ =	shalt  }
0x49: {  	_ =	shalt  }
0x4a: {  	_ =	shalt  }
0x4b: {  	_ =	shalt  }
0x4c: {  	_ =	shalt  }
0x4d: {  	_ =	shalt  }
0x4e: {  	_ =	shalt  }
0x4f: {  	_ =	shalt  }
0x50: {  	_ =	shalt  }
0x51: {  	_ =	shalt  }
0x52: {  	_ =	shalt  }
0x53: {  	_ =	shalt  }
0x54: {  	_ =	shalt  }
0x55: {  	_ =	shalt  }
0x56: {  	_ =	shalt  }
0x57: {  	_ =	shalt  }
0x58: {  	_ =	shalt  }
0x59: {  	_ =	shalt  }
0x5a: {  	_ =	shalt  }
0x5b: {  	_ =	shalt  }
0x5c: {  	_ =	shalt  }
0x5d: {  	_ =	shalt  }
0x5e: {  	_ =	shalt  }
0x5f: {  	_ =	shalt  }
0x60: {  	_ =	shalt  }
0x61: {  	_ =	shalt  }
0x62: {  	_ =	shalt  }
0x63: {  	_ =	shalt  }
0x64: {  	_ =	shalt  }
0x65: {  	_ =	shalt  }
0x66: {  	_ =	shalt  }
0x67: {  	_ =	shalt  }
0x68: {  	_ =	shalt  }
0x69: {  	_ =	shalt  }
0x6a: {  	_ =	shalt  }
0x6b: {  	_ =	shalt  }
0x6c: {  	_ =	shalt  }
0x6d: {  	_ =	shalt  }
0x6e: {  	_ =	shalt  }
0x6f: {  	_ =	shalt  }
0x70: {  	_ =	shalt  }
0x71: {  	_ =	shalt  }
0x72: {  	_ =	shalt  }
0x73: {  	_ =	shalt  }
0x74: {  	_ =	shalt  }
0x75: {  	_ =	shalt  }
0x76: {  	_ =	shalt  }
0x77: {  	_ =	shalt  }
0x78: {  	_ =	shalt  }
0x79: {  	_ =	shalt  }
0x7a: {  	_ =	shalt  }
0x7b: {  	_ =	shalt  }
0x7c: {  	_ =	shalt  }
0x7d: {  	_ =	shalt  }
0x7e: {  	_ =	shalt  }
0x7f: {  	_ =	shalt  }
0x80: {  	_ =	shalt  }
0x81: {  	_ =	shalt  }
0x82: {  	_ =	shalt  }
0x83: {  	_ =	shalt  }
0x84: {  	_ =	shalt  }
0x85: {  	_ =	shalt  }
0x86: {  	_ =	shalt  }
0x87: {  	_ =	shalt  }
.Lfunc_end0:
.L_simem_size_0:
called_computation_lowered:
.L_overlay_start_0:
0x88: {  	s2 =	sld [smem:$0x3FD9]  }
0x89: {  	s3 =	sld [smem:$0x3FFE];
	_ =	sdelay $0x1  }
0x8a: {  	s1 =	srdreg.scid  }
0x8b: {  	s0 =	sand.u32 $0x1, s1  }
0x8c: {  	s16 =	sshll.u32 s0, $0xA;
	s2 =	sadd.s32 s3, s2  }
0x8d: {  	s2 =	sadd.s32 s2, s16  }
0x8e: {  	[smem:$0x3FBE] =	sst s2  }
0x8f: {  	_ = 	snop  }
0x90: {  	(tm) =	ssettm $0x1  }
0x91: {  	s17 =	sld [smem:$0x3FFB];
	_ =	sdelay $0x3  }
0x92: {  	_ =	strace s17  }
0x93: {  	s2 =	sld [smem:$0x3FFC];
	_ =	sdelay $0x3  }
0x94: {  	_ =	strace s2  }
0x95: {  	s2 =	sld [smem:$0x3FFD];
	_ =	sdelay $0x3  }
0x96: {  	_ =	strace s2  }
0x97: {  	_ =	strace $0x8FFFFFFF  }
0x98: {  	s18 =	sld [smem:$0x3FDB];
	_ =	sdelay $0x1  }
0x99: {  	s19 =	simm.s32 $_scs_section_size  }
0x9a: {  	s4 =	simm.s32 $_size__tile_overlayer_lowered;
	s5 =	simm.s32 $_tile_overlayer_lowered  }
0x9b: {  	s22 =	simm.s32 $0x1BFF;
	s21 =	sshll.u32 s5, $0x1;
	s2 =	sadd.s32 s19, s18  }
0x9c: {  	s6 =	simm.s32 $0x0;
	s20 =	sshll.u32 s4, $0x1;
	s4 =	sadd.s32 s21, s2  }
0x9d: {  	[timem:s6], [sflag:s22] =	dma.local [hbm:s4], s20  }
0x9e: {  	_ =	swait.ge [sflag:s22], s20  }
0x9f: {  	s3 =	ssub.s32 $0x0, s20;
	[sflag:s22] =	ssyncset.done $0x0  }
0xa0: {  	[sflag:s22] =	ssyncadd.s32 s3;
	_ =	sdelay $0x1  }
0xa1: {  	s23 =	simm.s32 $0x1B8B  }
0xa2: {  	_ =	swait.ge [sflag:s23], $0x1  }
0xa3: {  	[sflag:s23] =	ssyncset.done $0x0  }
0xa4: {  	s25 =	simm.s32 $0x1B8E;
	s24 =	sld [smem:$0x3FFE];
	[sflag:s23] =	ssyncadd.s32 $0xFFFFFFFF  }
0xa5: {  	s26 =	simm.s32 $execute0_lowered;
	[smem:$0x3FD2] =	sst s25  }
0xa6: {  	s4 =	sshll.u32 s26, $0x1;
	_ =	strace $0x80000046;
	[dreg:$0x1] =	wrdreg $0xFFFFFFFF  }
0xa7: {  	s28 =	simm.s32 $_size_execute0_lowered;
	s2 =	sadd.s32 s2, s4;
	[dreg:$0x0] =	wrdreg $0x0  }
0xa8: {  	s4 =	sshll.u32 s28, $0x1;
	[dreg:$0x2] =	wrdreg s2  }
0xa9: {  	[dreg:$0x3] =	wrdreg s4  }
0xaa: {  	[dreg:$0x4] =	wrdreg $0xC0  }
0xab: {  	_ =	task [dreg:s6], $0x5FFFF  }
0xac: {  	[dreg:$0x1] =	wrdreg $0xFFFFFFFF  }
0xad: {  	[dreg:$0x0] =	wrdreg $0x60  }
0xae: {  	[dreg:$0x2] =	wrdreg s24  }
0xaf: {  	[dreg:$0x3] =	wrdreg $0x0  }
0xb0: {  	[dreg:$0x4] =	wrdreg $0x9  }
0xb1: {  	_ =	task.clear_ibuf [dreg:s6], $0x5FFFF;
	_ =	strace $0x90000046  }
0xb2: {  	s29 =	simm.s32 $0x9;
	_ =	strace $0x80000048  }
0xb3: {  	_ =	swait.ge [sflag:s29], $0x1  }
0xb4: {  	[sflag:s29] =	ssyncadd.s32 $0xFFFFFFFF  }
0xb5: {  	_ =	strace $0x90000048  }
0xb6: {  	_ =	sfence  }
0xb7: {  	s30 =	sld [smem:$0x0];
	_ =	sdelay $0x2  }
0xb8: {  	s31 =	sshll.u32 s1, $0xD;
	s1 =	sshrl.u32 s1, $0x2  }
0xb9: {  	s3 =	sand.u32 $0x4000, s31;
	s1 =	sadd.s32 s1, s30  }
0xba: {  	s0 =	sor.u32 s3, s0;
	s1 =	sshll.u32 s1, $0x11  }
0xbb: {  	s0 =	sor.u32 s1, s0  }
0xbc: {  	s0 =	sadd.s32 $0x8F2B, s0  }
0xbd: {  	[sflag:s0] =	ssyncadd.remote.s32 $0x1  }
0xbe: {  	_ =	sfence.sel $0xFFFF  }
0xbf: {  	[dreg:$0x0] =	wrdreg $0xFFFFFFFF;
	(pc) =	sbr.abs _section_cstart, $3  }
0xc0: {  	[dreg:$0x1] =	wrdreg $0xFFFFFFFF  }
0xc1: {  	_ =	task.clear_ibuf [dreg:s6], $0x2FFFF;
	_ =	strace $0x9FFFFFFF  }
0xc2: {  	(tm) =	ssettm $0x7FFFFFFF  }
0xc3: {  	_ =	shalt  }
tec
execute0_lowered:
.L_overlay_start_1:
0x0: {  	(tag) =	ssettag $0x1  }
0x1: {  	s1 =	srdreg.scid;
	s4 =	rddreg [dreg:$0x0]  }
0x2: {  	s0 =	stileid.u32;
	s2 =	rddreg [dreg:$0x1]  }
0x3: {  	s3 =	simm.s32 $0x0;
	s10 =	simm.s32 $0x2B00;
	s11 =	simm.s32 $0x50  }
0x4: {  	s12 =	simm.s32 $0x5700;
	s5 =	sand.u32 $0x1, s1;
	s1 =	rddreg [dreg:$0x2]  }
0x5: {  	s31 =	sshll.u32 s0, $0x1;
	[smem:$0x7FF] =	sst s3;
	s7 =	smul.u32 $0xA, s5  }
0x6: {  	s9 =	sshll.u32 s0, $0xA;
	p0 =	sgt.u32 s0, $0x9;
	s6 =	sor.u32 s5, s31  }
0x7: {  	s5 =	ssub.s32 $0x2, s5;
	s6 =	smul.u32 $0x510, s6;
	s7 =	sadd.s32 s0, s7  }
0x8: {  	_ =	strace $0x80000047;
	s8 =	sshrl.u32 s5, $0x1;
	s7 =	sshll.u32 s7, $0x7  }
0x9: {  	v0 =	vlaneseq.u32;
	s8 =	ssub.s32 s5, s8;
	s6 =	sadd.s32 s6, s4;
	s7 =	sadd.s32 s7, s4  }
0xa: {  	v1 =	vimm.f32 $0.0e+00;
	v6 =	vimm.f32 $1.000000000e+00;
	v2 =	vor.u32 $0x10, v0;
	s4 =	sadd.s32 s9, s2;
	s5 =	sadd.s32 $0x2800, s6;
	s9 =	simm.s32 $0x1  }
0xb: {  	v3 =	vor.u32 $0x20, v0;
	v4 =	vor.u32 $0x30, v0;
	v5 =	vor.u32 $0x40, v0;
	s6 =	sadd.s32 $0xCA00, s7;
	s7 =	smax.u32 s8, $0x1;
	s8 =	simm.s32 $0x280  }
.LBB2_1:
0xc: {  	s13 =	simm.s32 $0x0;
	s14 =	simm.s32 $0x0  }
.LBB2_2:
0xd: {  	p1 =	sne.s32 s14, $0x9FC0  }
.Ltmp0:
0xe: {  	_ = 	snop;
	(pc) =	sbr.rel @p1 .LBB2_2-.Ltmp0, $4  }
0xf: {  	s15 =	sand.u32 $0xFE00, s14  }
0x10: {  	s16 =	sand.u32 $0x70, s13;
	s15 =	sshrl.u32 s15, $0x2  }
0x11: {  	s15 =	sor.u32 s16, s15  }
0x12: {  	s13 =	sadd.s32 $0x10, s13;
	s14 =	sadd.s32 $0x40, s14;
	[tilespmem:s15+$0x2B00] =	vst v1  }
0x13: {  	s13 =	simm.s32 $0x0  }
0x14: {  	s14 =	sand.u32 $0xE00, s13  }
0x15: {  	s15 =	sand.u32 $0x70, s13;
	s16 =	sshrl.u32 s14, $0x2  }
0x16: {  	s14 =	simm.s32 $0x40;
	s15 =	sor.u32 s15, s16  }
.LBB2_4:
0x17: {  	p1 =	sne.s32 s14, $0xFC0  }
0x18: {  	[tilespmem:s15+$0x5300] =	vst v1;
	s13 =	sadd.s32 $0x10, s13;
	s15 =	smov.u32 s14;
	s14 =	sadd.s32 $0x40, s14  }
.Ltmp1:
0x19: {  	(pc) =	sbr.rel @p1 .LBB2_4-.Ltmp1, $4  }
0x1a: {  	_ = 	snop  }
0x1b: {  	s15 =	sand.u32 $0xE00, s15  }
0x1c: {  	s16 =	sand.u32 $0x70, s13;
	s15 =	sshrl.u32 s15, $0x2  }
0x1d: {  	s15 =	sor.u32 s16, s15  }
0x1e: {  	[tilespmem:s15+$0x5300] =	vst v1  }
0x1f: {  	[tilespmem:$0x5700] =	vst v0  }
0x20: {  	[tilespmem:$0x5710] =	vst v2  }
0x21: {  	[tilespmem:$0x5720] =	vst v3  }
0x22: {  	[tilespmem:$0x5730] =	vst v4  }
0x23: {  	s13 =	simm.s32 @!p0 $0x5300;
	[tilespmem:$0x5740] =	vst v5  }
0x24: {  	[spmem:s4] =	stream.linear.scatter @!p0 [tilespmem:s13], [sflag:$0x1], $0x400, $0x38;
	[tilespmem:$0x5780] =	vst v63  }
0x25: {  	s13 =	simm.s32 @!p0 $0x1  }
0x26: {  	_ =	swait.ge @!p0 [sflag:s13], $0x400  }
0x27: {  	[sflag:s13] =	ssyncset.done @!p0 $0x0  }
0x28: {  	s31 =	simm.s32 $0x0;
	[sflag:s13] =	ssyncadd.s32 @!p0 $0xFFFFFC00  }
0x29: {  	[tilespmem:s8], [sflag:$0x1] =	stream.linear.gather [hbm4b:s5+s31], $0x2880, $0x38;
	[tilespmem:$0x5780] =	vst v63  }
0x2a: {  	_ =	swait.ge [sflag:s9], $0x2880  }
0x2b: {  	[sflag:s9] =	ssyncset.done $0x0  }
0x2c: {  	[sflag:s9] =	ssyncadd.s32 $0xFFFFD780  }
0x2d: {  	s14 =	simm.s32 $0x0;
	s13 =	simm.s32 $0x40;
	[bflag:$0x0] =	sbarrier.arrive $0xFFFF  }
.LBB2_6:
0x2e: {  	p1 =	sne.s32 s13, $0xA1C0;
	v7 =	vld [tilespmem:s14+$0x280];
	_ =	sdelay $0x3  }
.Ltmp2:
0x2f: {  	(pc) =	sbr.rel @p1 .LBB2_6-.Ltmp2, $2  }
0x30: {  	_ =	sdelay $0x2  }
0x31: {  	s14 =	sshra.s32 s13, $0x2;
	s13 =	sadd.s32 $0x40, s13;
	[tilespmem:v7+s10+$0x0] =	vst.idx.add.f32.msk $0xffff, v6  }
0x32: {  	v7 =	vld [tilespmem:s14+$0x280];
	_ =	sdelay $0x7  }
0x33: {  	[tilespmem:v7+s10+$0x0] =	vst.idx.add.f32.msk $0xffff, v6  }
0x34: {  	[spmem:s2] =	stream.indirect.scatter.add.f32 [tilespmem:s10], [sflag:$0x1], $0x80, s12, s11, $0xb8;
	[tilespmem:$0x5780] =	vst v63  }
0x35: {  	_ =	swait.ge [sflag:s9], $0x2800  }
0x36: {  	[sflag:s9] =	ssyncset.done $0x0  }
0x37: {  	[sflag:s9] =	ssyncadd.s32 $0xFFFFD800  }
0x38: {  	s13 =	simm.s32 @!p0 $0x5300;
	s14 =	simm.s32 @!p0 $0x1;
	[bflag:$0x0] =	sbarrier.arrive $0xFFFF  }
0x39: {  	[tilespmem:s13], [sflag:$0x1] =	stream.linear.gather @!p0 [spmem:s4], $0x400, $0x38;
	[tilespmem:$0x5780] =	vst v63  }
0x3a: {  	s3 =	sadd.s32 $0x1, s3;
	_ =	swait.ge @!p0 [sflag:s14], $0x400  }
0x3b: {  	p1 =	sne.s32 s3, s7;
	[sflag:s14] =	ssyncset.done @!p0 $0x0  }
.Ltmp3:
0x3c: {  	s15 =	simm.s32 @!p0 $0x0;
	[sflag:s14] =	ssyncadd.s32 @!p0 $0xFFFFFC00;
	(pc) =	sbr.rel @p1 .LBB2_1-.Ltmp3, $4  }
0x3d: {  	[hbm4b:s6+s15] =	stream.linear.scatter @!p0 [tilespmem:s13], [sflag:$0x1], $0x400, $0x38;
	[tilespmem:$0x5780] =	vst v63  }
0x3e: {  	_ =	swait.ge @!p0 [sflag:s14], $0x400  }
0x3f: {  	[sflag:s14] =	ssyncset.done @!p0 $0x0  }
0x40: {  	[sflag:s14] =	ssyncadd.s32 @!p0 $0xFFFFFC00  }
0x41: {  	_ =	sfence.sel $0x180000  }
0x42: {  	[bflag:$0x0] =	sbarrier.arrive $0xFFFF  }
0x43: {  	p0 =	sne.s32 s0, $0x0;
	_ =	strace $0x90000047  }
0x44: {  	s0 =	sadd.s32 @!p0 $0x100000, s1;
	[bflag:$0x2] =	sbarrier.arrive $0xFFFF  }
0x45: {  	[sflag:s0] =	ssyncadd.tile.s32 @!p0 $0x1;
	_ =	shalt  }
.Lfunc_end2:
_tile_overlayer_lowered:
.L_overlay_start_2:
0x46: {  	(tag) =	ssettag $0x2  }
0x47: {  	s0 =	rddreg [dreg:$0x0];
	s2 =	stileid.u32  }
0x48: {  	s1 =	rddreg [dreg:$0x1];
	p0 =	sne.s32 s2, $0x0  }
0x49: {  	s3 =	rddreg [dreg:$0x2];
	[bflag:$0x3] =	sbarrier.arrive $0xFFFF;
	s2 =	simm.s32 @!p0 $0x1C01  }
0x4a: {  	[timem:s3], [sflag:s2] =	dma.local @!p0 [hbm:s0], s1  }
0x4b: {  	s0 =	simm.s32 @!p0 $0x1  }
0x4c: {  	_ =	swait.ge @!p0 [sflag:s0], s1  }
0x4d: {  	s1 =	ssub.s32 @!p0 $0x0, s1;
	[sflag:s0] =	ssyncset.done @!p0 $0x0  }
0x4e: {  	[sflag:s0] =	ssyncadd.s32 @!p0 s1  }
0x4f: {  	[bflag:$0x3] =	sbarrier.arrive $0xFFFF  }
0x50: {  	_ =	shalt  }

</sc_bundles>
